<compile_context>
chip_gen: v7x
topology: tpu7x:2x2x1
jax: 0.10.2.dev20260603
libtpu: 0.0.44.dev20260713+nightly
codegen_flags: <defaults>
</compile_context>

<pallas_src>
import jax
import jax.numpy as jnp
from jax.experimental import pallas as pl
from jax.experimental.pallas import tpu as pltpu

_N = 20000
_T = 768
_NT = 27
_NPAD = _NT * _T
_IOU_T = 0.5


def _nms_tiles_kernel(x1r, y1r, x2r, y2r, ar, sr,
                      ox1, oy1, ox2, oy2, osc, marea):

    def tile_body(t, carry):
        ccx1 = x1r[t]
        ccy1 = y1r[t]
        ccx2 = x2r[t]
        ccy2 = y2r[t]
        ccar = ar[t]
        cx1 = ccx1.reshape(_T, 1)
        cy1 = ccy1.reshape(_T, 1)
        cx2 = ccx2.reshape(_T, 1)
        cy2 = ccy2.reshape(_T, 1)
        car = ccar.reshape(_T, 1)

        def cross_body(p, sup):
            px1 = ox1[p]
            py1 = oy1[p]
            px2 = ox2[p]
            py2 = oy2[p]
            par = marea[p]
            xx1 = jnp.maximum(cx1, px1)
            yy1 = jnp.maximum(cy1, py1)
            xx2 = jnp.minimum(cx2, px2)
            yy2 = jnp.minimum(cy2, py2)
            inter = jnp.maximum(xx2 - xx1, 0.0) * jnp.maximum(yy2 - yy1, 0.0)
            iou = inter / (car + par - inter + 1e-9)
            return jnp.maximum(sup, jnp.max(iou, axis=1, keepdims=True))

        sup0 = jax.lax.fori_loop(
            0, t, cross_body, jnp.zeros((_T, 1), jnp.float32))
        alive0_row = jnp.where(sup0 > _IOU_T, 0.0, 1.0)
        alive0_col = alive0_row.reshape(1, _T)

        xx1 = jnp.maximum(cx1, ccx1)
        yy1 = jnp.maximum(cy1, ccy1)
        xx2 = jnp.minimum(cx2, ccx2)
        yy2 = jnp.minimum(cy2, ccy2)
        inter = jnp.maximum(xx2 - xx1, 0.0) * jnp.maximum(yy2 - yy1, 0.0)
        iou = inter / (car + ccar - inter + 1e-9)
        row_i = jax.lax.broadcasted_iota(jnp.int32, (_T, _T), 0)
        col_i = jax.lax.broadcasted_iota(jnp.int32, (_T, _T), 1)
        e_mat = jnp.where((iou > _IOU_T) & (row_i < col_i), 1.0, 0.0)

        def jac_cond(state):
            return state[1] > 0

        def jac_body(state):
            a_col, _ = state
            a_row = a_col.reshape(_T, 1)
            sup = jnp.max(e_mat * a_row, axis=0, keepdims=True)
            a_new = jnp.where(sup > 0.0, 0.0, alive0_col)
            changed = jnp.sum(jnp.abs(a_new - a_col)).astype(jnp.float32)
            return a_new, changed

        a_final, _ = jax.lax.while_loop(
            jac_cond, jac_body, (alive0_col, jnp.float32(1.0)))

        marea[t] = ccar * a_final
        ox1[t] = ccx1 * a_final
        oy1[t] = ccy1 * a_final
        ox2[t] = ccx2 * a_final
        oy2[t] = ccy2 * a_final
        osc[t] = sr[t] * a_final
        return carry

    jax.lax.fori_loop(0, _NT, tile_body, 0)


def kernel(boxes, scores):
    cx = boxes[:, 0] * 1000.0
    cy = boxes[:, 1] * 1000.0
    w = boxes[:, 2] * 100.0 + 1.0
    h = boxes[:, 3] * 100.0 + 1.0
    x1 = cx - 0.5 * w
    y1 = cy - 0.5 * h
    x2 = cx + 0.5 * w
    y2 = cy + 0.5 * h

    order = jnp.argsort(-scores)
    x1s = x1[order]
    y1s = y1[order]
    x2s = x2[order]
    y2s = y2[order]
    ss = scores[order]
    areas = jnp.maximum(x2s - x1s, 0.0) * jnp.maximum(y2s - y1s, 0.0)

    pad = _NPAD - _N

    def prep(v):
        return jnp.pad(v, (0, pad)).reshape(_NT, 1, _T)

    ins = [prep(v) for v in (x1s, y1s, x2s, y2s, areas, ss)]

    out_shape = [jax.ShapeDtypeStruct((_NT, 1, _T), jnp.float32)] * 5
    outs = pl.pallas_call(
        _nms_tiles_kernel,
        out_shape=out_shape,
        scratch_shapes=[pltpu.VMEM((_NT, 1, _T), jnp.float32)],
    )(*ins)

    cols = [o.reshape(_NPAD)[:_N] for o in outs]
    return jnp.stack(cols, axis=1)

# --- scband reference (transcript-rebuilt; emitter-appended) ---
"""Pipeline reference for scband-dut-9706626089758 (READ-ONLY COPY).

The authoritative reference and input builder live on the scoring server;
editing this copy changes nothing except your own understanding.
"""

import jax, jax.numpy as jnp
import numpy as np

N = 20000
IOU_THRESH = 0.5


def _to_corners(boxes):
    # interpret raw uniform [0,1) columns as (cx, cy, w, h) and produce valid corner boxes
    cx = boxes[:, 0] * 1000.0
    cy = boxes[:, 1] * 1000.0
    w = boxes[:, 2] * 100.0 + 1.0
    h = boxes[:, 3] * 100.0 + 1.0
    x1 = cx - 0.5 * w
    y1 = cy - 0.5 * h
    x2 = cx + 0.5 * w
    y2 = cy + 0.5 * h
    return x1, y1, x2, y2


def _greedy_keep(x1, y1, x2, y2):
    # greedy NMS over score-descending-ordered boxes; O(N) memory (no full IoU matrix)
    n = x1.shape[0]
    areas = jnp.maximum(x2 - x1, 0.0) * jnp.maximum(y2 - y1, 0.0)
    idx = jnp.arange(n)

    def body(i, keep):
        xx1 = jnp.maximum(x1[i], x1)
        yy1 = jnp.maximum(y1[i], y1)
        xx2 = jnp.minimum(x2[i], x2)
        yy2 = jnp.minimum(y2[i], y2)
        inter = jnp.maximum(xx2 - xx1, 0.0) * jnp.maximum(yy2 - yy1, 0.0)
        iou = inter / (areas[i] + areas - inter + 1e-9)
        suppress = (iou > IOU_THRESH) & (idx > i) & keep[i]
        return keep & (~suppress)

    return jax.lax.fori_loop(0, n, body, jnp.ones((n,), dtype=bool))


def setup_inputs(seed: int = 0) -> dict:
    key = jax.random.key(seed)
    kb, ks = jax.random.split(key)
    boxes = jax.random.uniform(kb, (N, 4), dtype=jnp.float32)
    scores = jax.random.uniform(ks, (N,), dtype=jnp.float32)
    return {"boxes": boxes, "scores": scores}


def reference(boxes, scores):
    x1, y1, x2, y2 = _to_corners(boxes)
    order = jnp.argsort(-scores)
    x1s = x1[order]
    y1s = y1[order]
    x2s = x2[order]
    y2s = y2[order]
    scores_s = scores[order]
    keep = _greedy_keep(x1s, y1s, x2s, y2s)
    keep_f = keep.astype(jnp.float32)
    boxes_out = jnp.stack([x1s, y1s, x2s, y2s], axis=1) * keep_f[:, None]
    out = jnp.concatenate([boxes_out, (scores_s * keep_f)[:, None]], axis=1)
    return out

if __name__ == "__main__":
    import jax
    _d = setup_inputs()
    print(jax.jit(kernel)(*tuple(_d.values())))

</pallas_src>

<mosaic_0001>
module attributes {stable_mosaic.version = 14 : i64} {
  func.func @_nms_tiles_kernel(%arg0: memref<27x1x768xf32, #tpu.memory_space<vmem>>, %arg1: memref<27x1x768xf32, #tpu.memory_space<vmem>>, %arg2: memref<27x1x768xf32, #tpu.memory_space<vmem>>, %arg3: memref<27x1x768xf32, #tpu.memory_space<vmem>>, %arg4: memref<27x1x768xf32, #tpu.memory_space<vmem>>, %arg5: memref<27x1x768xf32, #tpu.memory_space<vmem>>, %arg6: memref<27x1x768xf32, #tpu.memory_space<vmem>>, %arg7: memref<27x1x768xf32, #tpu.memory_space<vmem>>, %arg8: memref<27x1x768xf32, #tpu.memory_space<vmem>>, %arg9: memref<27x1x768xf32, #tpu.memory_space<vmem>>, %arg10: memref<27x1x768xf32, #tpu.memory_space<vmem>>, %arg11: memref<27x1x768xf32, #tpu.memory_space<vmem>>) attributes {dimension_semantics = [], scalar_prefetch = 0 : i64, scratch_operands = 1 : i64, tpu.core_type = #tpu.core_type<tc>} {
    %scan3A = arith.constant 0 : i32
    %scan3A_0 = arith.constant 27 : i32
    %scan3A_1 = arith.addi %scan3A, %scan3A_0 : i32
    %scan3A_2 = arith.constant 1 : i32
    scf.for %scan3A_4 = %scan3A to %scan3A_1 step %scan3A_2  : i32 {
      %get3A = arith.index_cast %scan3A_4 : i32 to index
      %get3A_5 = arith.constant 0 : index
      %get3A_6 = arith.constant 0 : index
      %get3A_7 = vector.load %arg0[%get3A, %get3A_5, %get3A_6] : memref<27x1x768xf32, #tpu.memory_space<vmem>>, vector<1x1x768xf32>
      %get3A_8 = vector.shape_cast %get3A_7 : vector<1x1x768xf32> to vector<1x768xf32>
      %get3A_9 = arith.index_cast %scan3A_4 : i32 to index
      %get3A_10 = arith.constant 0 : index
      %get3A_11 = arith.constant 0 : index
      %get3A_12 = vector.load %arg1[%get3A_9, %get3A_10, %get3A_11] : memref<27x1x768xf32, #tpu.memory_space<vmem>>, vector<1x1x768xf32>
      %get3A_13 = vector.shape_cast %get3A_12 : vector<1x1x768xf32> to vector<1x768xf32>
      %get3A_14 = arith.index_cast %scan3A_4 : i32 to index
      %get3A_15 = arith.constant 0 : index
      %get3A_16 = arith.constant 0 : index
      %get3A_17 = vector.load %arg2[%get3A_14, %get3A_15, %get3A_16] : memref<27x1x768xf32, #tpu.memory_space<vmem>>, vector<1x1x768xf32>
      %get3A_18 = vector.shape_cast %get3A_17 : vector<1x1x768xf32> to vector<1x768xf32>
      %get3A_19 = arith.index_cast %scan3A_4 : i32 to index
      %get3A_20 = arith.constant 0 : index
      %get3A_21 = arith.constant 0 : index
      %get3A_22 = vector.load %arg3[%get3A_19, %get3A_20, %get3A_21] : memref<27x1x768xf32, #tpu.memory_space<vmem>>, vector<1x1x768xf32>
      %get3A_23 = vector.shape_cast %get3A_22 : vector<1x1x768xf32> to vector<1x768xf32>
      %get3A_24 = arith.index_cast %scan3A_4 : i32 to index
      %get3A_25 = arith.constant 0 : index
      %get3A_26 = arith.constant 0 : index
      %get3A_27 = vector.load %arg4[%get3A_24, %get3A_25, %get3A_26] : memref<27x1x768xf32, #tpu.memory_space<vmem>>, vector<1x1x768xf32>
      %get3A_28 = vector.shape_cast %get3A_27 : vector<1x1x768xf32> to vector<1x768xf32>
      %reshape3A = vector.shape_cast %get3A_8 : vector<1x768xf32> to vector<768x1xf32>
      %reshape3A_29 = vector.shape_cast %get3A_13 : vector<1x768xf32> to vector<768x1xf32>
      %reshape3A_30 = vector.shape_cast %get3A_18 : vector<1x768xf32> to vector<768x1xf32>
      %reshape3A_31 = vector.shape_cast %get3A_23 : vector<1x768xf32> to vector<768x1xf32>
      %reshape3A_32 = vector.shape_cast %get3A_28 : vector<1x768xf32> to vector<768x1xf32>
      %broadcast_in_dim3A = arith.constant 0.000000e+00 : f32
      %broadcast_in_dim3A_33 = vector.broadcast %broadcast_in_dim3A : f32 to vector<768x1xf32>
      %while3A = arith.constant 0 : i32
      %while3A_34 = arith.subi %scan3A_4, %while3A : i32
      %while3A_35 = arith.addi %while3A, %while3A_34 : i32
      %while3A_36 = arith.constant 1 : i32
      %while3A_37 = arith.divsi %while3A_34, %while3A_36 : i32
      %while3A_38 = arith.muli %while3A_37, %while3A_36 : i32
      %while3A_39 = arith.addi %while3A, %while3A_38 : i32
      %while3A_40 = arith.constant 1 : i32
      %while3A_41 = scf.for %while3A_130 = %while3A to %while3A_39 step %while3A_40 iter_args(%while3A_131 = %broadcast_in_dim3A_33) -> (vector<768x1xf32>)  : i32 {
        %get3A_132 = arith.index_cast %while3A_130 : i32 to index
        %get3A_133 = arith.constant 0 : index
        %get3A_134 = arith.constant 0 : index
        %get3A_135 = vector.load %arg6[%get3A_132, %get3A_133, %get3A_134] : memref<27x1x768xf32, #tpu.memory_space<vmem>>, vector<1x1x768xf32>
        %get3A_136 = vector.shape_cast %get3A_135 : vector<1x1x768xf32> to vector<1x768xf32>
        %get3A_137 = arith.index_cast %while3A_130 : i32 to index
        %get3A_138 = arith.constant 0 : index
        %get3A_139 = arith.constant 0 : index
        %get3A_140 = vector.load %arg7[%get3A_137, %get3A_138, %get3A_139] : memref<27x1x768xf32, #tpu.memory_space<vmem>>, vector<1x1x768xf32>
        %get3A_141 = vector.shape_cast %get3A_140 : vector<1x1x768xf32> to vector<1x768xf32>
        %get3A_142 = arith.index_cast %while3A_130 : i32 to index
        %get3A_143 = arith.constant 0 : index
        %get3A_144 = arith.constant 0 : index
        %get3A_145 = vector.load %arg8[%get3A_142, %get3A_143, %get3A_144] : memref<27x1x768xf32, #tpu.memory_space<vmem>>, vector<1x1x768xf32>
        %get3A_146 = vector.shape_cast %get3A_145 : vector<1x1x768xf32> to vector<1x768xf32>
        %get3A_147 = arith.index_cast %while3A_130 : i32 to index
        %get3A_148 = arith.constant 0 : index
        %get3A_149 = arith.constant 0 : index
        %get3A_150 = vector.load %arg9[%get3A_147, %get3A_148, %get3A_149] : memref<27x1x768xf32, #tpu.memory_space<vmem>>, vector<1x1x768xf32>
        %get3A_151 = vector.shape_cast %get3A_150 : vector<1x1x768xf32> to vector<1x768xf32>
        %get3A_152 = arith.index_cast %while3A_130 : i32 to index
        %get3A_153 = arith.constant 0 : index
        %get3A_154 = arith.constant 0 : index
        %get3A_155 = vector.load %arg11[%get3A_152, %get3A_153, %get3A_154] : memref<27x1x768xf32, #tpu.memory_space<vmem>>, vector<1x1x768xf32>
        %get3A_156 = vector.shape_cast %get3A_155 : vector<1x1x768xf32> to vector<1x768xf32>
        %max3A_157 = vector.broadcast %reshape3A : vector<768x1xf32> to vector<768x768xf32>
        %max3A_158 = vector.broadcast %get3A_136 : vector<1x768xf32> to vector<768x768xf32>
        %max3A_159 = arith.maximumf %max3A_157, %max3A_158 : vector<768x768xf32>
        %max3A_160 = vector.broadcast %reshape3A_29 : vector<768x1xf32> to vector<768x768xf32>
        %max3A_161 = vector.broadcast %get3A_141 : vector<1x768xf32> to vector<768x768xf32>
        %max3A_162 = arith.maximumf %max3A_160, %max3A_161 : vector<768x768xf32>
        %min3A_163 = vector.broadcast %reshape3A_30 : vector<768x1xf32> to vector<768x768xf32>
        %min3A_164 = vector.broadcast %get3A_146 : vector<1x768xf32> to vector<768x768xf32>
        %min3A_165 = arith.minimumf %min3A_163, %min3A_164 : vector<768x768xf32>
        %min3A_166 = vector.broadcast %reshape3A_31 : vector<768x1xf32> to vector<768x768xf32>
        %min3A_167 = vector.broadcast %get3A_151 : vector<1x768xf32> to vector<768x768xf32>
        %min3A_168 = arith.minimumf %min3A_166, %min3A_167 : vector<768x768xf32>
        %sub3A_169 = arith.subf %min3A_165, %max3A_159 : vector<768x768xf32>
        %max3A_170 = arith.constant 0.000000e+00 : f32
        %max3A_171 = vector.broadcast %max3A_170 : f32 to vector<768x768xf32>
        %max3A_172 = arith.maximumf %sub3A_169, %max3A_171 : vector<768x768xf32>
        %sub3A_173 = arith.subf %min3A_168, %max3A_162 : vector<768x768xf32>
        %max3A_174 = arith.constant 0.000000e+00 : f32
        %max3A_175 = vector.broadcast %max3A_174 : f32 to vector<768x768xf32>
        %max3A_176 = arith.maximumf %sub3A_173, %max3A_175 : vector<768x768xf32>
        %mul3A_177 = arith.mulf %max3A_172, %max3A_176 : vector<768x768xf32>
        %add3A_178 = vector.broadcast %reshape3A_32 : vector<768x1xf32> to vector<768x768xf32>
        %add3A_179 = vector.broadcast %get3A_156 : vector<1x768xf32> to vector<768x768xf32>
        %add3A_180 = arith.addf %add3A_178, %add3A_179 : vector<768x768xf32>
        %sub3A_181 = arith.subf %add3A_180, %mul3A_177 : vector<768x768xf32>
        %add3A_182 = arith.constant 9.99999971E-10 : f32
        %add3A_183 = vector.broadcast %add3A_182 : f32 to vector<768x768xf32>
        %add3A_184 = arith.addf %sub3A_181, %add3A_183 : vector<768x768xf32>
        %div3A_185 = arith.divf %mul3A_177, %add3A_184 : vector<768x768xf32>
        %reduce_max3A = arith.constant dense<0xFF800000> : vector<768xf32>
        %reduce_max3A_186 = vector.multi_reduction <maximumf>, %div3A_185, %reduce_max3A [1] : vector<768x768xf32> to vector<768xf32>
        %broadcast_in_dim3A_187 = vector.shape_cast %reduce_max3A_186 : vector<768xf32> to vector<768x1xf32>
        %max3A_188 = arith.maximumf %while3A_131, %broadcast_in_dim3A_187 : vector<768x1xf32>
        scf.yield %max3A_188 : vector<768x1xf32>
      }
      %while3A_42 = arith.constant 1 : i32
      %while3A_43 = scf.for %while3A_130 = %while3A_39 to %while3A_35 step %while3A_42 iter_args(%while3A_131 = %while3A_41) -> (vector<768x1xf32>)  : i32 {
        %get3A_132 = arith.index_cast %while3A_130 : i32 to index
        %get3A_133 = arith.constant 0 : index
        %get3A_134 = arith.constant 0 : index
        %get3A_135 = vector.load %arg6[%get3A_132, %get3A_133, %get3A_134] : memref<27x1x768xf32, #tpu.memory_space<vmem>>, vector<1x1x768xf32>
        %get3A_136 = vector.shape_cast %get3A_135 : vector<1x1x768xf32> to vector<1x768xf32>
        %get3A_137 = arith.index_cast %while3A_130 : i32 to index
        %get3A_138 = arith.constant 0 : index
        %get3A_139 = arith.constant 0 : index
        %get3A_140 = vector.load %arg7[%get3A_137, %get3A_138, %get3A_139] : memref<27x1x768xf32, #tpu.memory_space<vmem>>, vector<1x1x768xf32>
        %get3A_141 = vector.shape_cast %get3A_140 : vector<1x1x768xf32> to vector<1x768xf32>
        %get3A_142 = arith.index_cast %while3A_130 : i32 to index
        %get3A_143 = arith.constant 0 : index
        %get3A_144 = arith.constant 0 : index
        %get3A_145 = vector.load %arg8[%get3A_142, %get3A_143, %get3A_144] : memref<27x1x768xf32, #tpu.memory_space<vmem>>, vector<1x1x768xf32>
        %get3A_146 = vector.shape_cast %get3A_145 : vector<1x1x768xf32> to vector<1x768xf32>
        %get3A_147 = arith.index_cast %while3A_130 : i32 to index
        %get3A_148 = arith.constant 0 : index
        %get3A_149 = arith.constant 0 : index
        %get3A_150 = vector.load %arg9[%get3A_147, %get3A_148, %get3A_149] : memref<27x1x768xf32, #tpu.memory_space<vmem>>, vector<1x1x768xf32>
        %get3A_151 = vector.shape_cast %get3A_150 : vector<1x1x768xf32> to vector<1x768xf32>
        %get3A_152 = arith.index_cast %while3A_130 : i32 to index
        %get3A_153 = arith.constant 0 : index
        %get3A_154 = arith.constant 0 : index
        %get3A_155 = vector.load %arg11[%get3A_152, %get3A_153, %get3A_154] : memref<27x1x768xf32, #tpu.memory_space<vmem>>, vector<1x1x768xf32>
        %get3A_156 = vector.shape_cast %get3A_155 : vector<1x1x768xf32> to vector<1x768xf32>
        %max3A_157 = vector.broadcast %reshape3A : vector<768x1xf32> to vector<768x768xf32>
        %max3A_158 = vector.broadcast %get3A_136 : vector<1x768xf32> to vector<768x768xf32>
        %max3A_159 = arith.maximumf %max3A_157, %max3A_158 : vector<768x768xf32>
        %max3A_160 = vector.broadcast %reshape3A_29 : vector<768x1xf32> to vector<768x768xf32>
        %max3A_161 = vector.broadcast %get3A_141 : vector<1x768xf32> to vector<768x768xf32>
        %max3A_162 = arith.maximumf %max3A_160, %max3A_161 : vector<768x768xf32>
        %min3A_163 = vector.broadcast %reshape3A_30 : vector<768x1xf32> to vector<768x768xf32>
        %min3A_164 = vector.broadcast %get3A_146 : vector<1x768xf32> to vector<768x768xf32>
        %min3A_165 = arith.minimumf %min3A_163, %min3A_164 : vector<768x768xf32>
        %min3A_166 = vector.broadcast %reshape3A_31 : vector<768x1xf32> to vector<768x768xf32>
        %min3A_167 = vector.broadcast %get3A_151 : vector<1x768xf32> to vector<768x768xf32>
        %min3A_168 = arith.minimumf %min3A_166, %min3A_167 : vector<768x768xf32>
        %sub3A_169 = arith.subf %min3A_165, %max3A_159 : vector<768x768xf32>
        %max3A_170 = arith.constant 0.000000e+00 : f32
        %max3A_171 = vector.broadcast %max3A_170 : f32 to vector<768x768xf32>
        %max3A_172 = arith.maximumf %sub3A_169, %max3A_171 : vector<768x768xf32>
        %sub3A_173 = arith.subf %min3A_168, %max3A_162 : vector<768x768xf32>
        %max3A_174 = arith.constant 0.000000e+00 : f32
        %max3A_175 = vector.broadcast %max3A_174 : f32 to vector<768x768xf32>
        %max3A_176 = arith.maximumf %sub3A_173, %max3A_175 : vector<768x768xf32>
        %mul3A_177 = arith.mulf %max3A_172, %max3A_176 : vector<768x768xf32>
        %add3A_178 = vector.broadcast %reshape3A_32 : vector<768x1xf32> to vector<768x768xf32>
        %add3A_179 = vector.broadcast %get3A_156 : vector<1x768xf32> to vector<768x768xf32>
        %add3A_180 = arith.addf %add3A_178, %add3A_179 : vector<768x768xf32>
        %sub3A_181 = arith.subf %add3A_180, %mul3A_177 : vector<768x768xf32>
        %add3A_182 = arith.constant 9.99999971E-10 : f32
        %add3A_183 = vector.broadcast %add3A_182 : f32 to vector<768x768xf32>
        %add3A_184 = arith.addf %sub3A_181, %add3A_183 : vector<768x768xf32>
        %div3A_185 = arith.divf %mul3A_177, %add3A_184 : vector<768x768xf32>
        %reduce_max3A = arith.constant dense<0xFF800000> : vector<768xf32>
        %reduce_max3A_186 = vector.multi_reduction <maximumf>, %div3A_185, %reduce_max3A [1] : vector<768x768xf32> to vector<768xf32>
        %broadcast_in_dim3A_187 = vector.shape_cast %reduce_max3A_186 : vector<768xf32> to vector<768x1xf32>
        %max3A_188 = arith.maximumf %while3A_131, %broadcast_in_dim3A_187 : vector<768x1xf32>
        scf.yield %max3A_188 : vector<768x1xf32>
      }
      %gt3A = arith.constant 5.000000e-01 : f32
      %gt3A_44 = vector.broadcast %gt3A : f32 to vector<768x1xf32>
      %gt3A_45 = arith.cmpf ogt, %while3A_43, %gt3A_44 : vector<768x1xf32>
      %jit3A = arith.constant 0.000000e+00 : f32
      %jit3A_46 = arith.constant 1.000000e+00 : f32
      %broadcast_in_dim3A_47 = vector.broadcast %jit3A : f32 to vector<768x1xf32>
      %broadcast_in_dim3A_48 = vector.broadcast %jit3A_46 : f32 to vector<768x1xf32>
      %select_n3A = arith.select %gt3A_45, %broadcast_in_dim3A_47, %broadcast_in_dim3A_48 : vector<768x1xi1>, vector<768x1xf32>
      %reshape3A_49 = vector.shape_cast %select_n3A : vector<768x1xf32> to vector<1x768xf32>
      %max3A = vector.broadcast %reshape3A : vector<768x1xf32> to vector<768x768xf32>
      %max3A_50 = vector.broadcast %get3A_8 : vector<1x768xf32> to vector<768x768xf32>
      %max3A_51 = arith.maximumf %max3A, %max3A_50 : vector<768x768xf32>
      %max3A_52 = vector.broadcast %reshape3A_29 : vector<768x1xf32> to vector<768x768xf32>
      %max3A_53 = vector.broadcast %get3A_13 : vector<1x768xf32> to vector<768x768xf32>
      %max3A_54 = arith.maximumf %max3A_52, %max3A_53 : vector<768x768xf32>
      %min3A = vector.broadcast %reshape3A_30 : vector<768x1xf32> to vector<768x768xf32>
      %min3A_55 = vector.broadcast %get3A_18 : vector<1x768xf32> to vector<768x768xf32>
      %min3A_56 = arith.minimumf %min3A, %min3A_55 : vector<768x768xf32>
      %min3A_57 = vector.broadcast %reshape3A_31 : vector<768x1xf32> to vector<768x768xf32>
      %min3A_58 = vector.broadcast %get3A_23 : vector<1x768xf32> to vector<768x768xf32>
      %min3A_59 = arith.minimumf %min3A_57, %min3A_58 : vector<768x768xf32>
      %sub3A = arith.subf %min3A_56, %max3A_51 : vector<768x768xf32>
      %max3A_60 = arith.constant 0.000000e+00 : f32
      %max3A_61 = vector.broadcast %max3A_60 : f32 to vector<768x768xf32>
      %max3A_62 = arith.maximumf %sub3A, %max3A_61 : vector<768x768xf32>
      %sub3A_63 = arith.subf %min3A_59, %max3A_54 : vector<768x768xf32>
      %max3A_64 = arith.constant 0.000000e+00 : f32
      %max3A_65 = vector.broadcast %max3A_64 : f32 to vector<768x768xf32>
      %max3A_66 = arith.maximumf %sub3A_63, %max3A_65 : vector<768x768xf32>
      %mul3A = arith.mulf %max3A_62, %max3A_66 : vector<768x768xf32>
      %add3A = vector.broadcast %reshape3A_32 : vector<768x1xf32> to vector<768x768xf32>
      %add3A_67 = vector.broadcast %get3A_28 : vector<1x768xf32> to vector<768x768xf32>
      %add3A_68 = arith.addf %add3A, %add3A_67 : vector<768x768xf32>
      %sub3A_69 = arith.subf %add3A_68, %mul3A : vector<768x768xf32>
      %add3A_70 = arith.constant 9.99999971E-10 : f32
      %add3A_71 = vector.broadcast %add3A_70 : f32 to vector<768x768xf32>
      %add3A_72 = arith.addf %sub3A_69, %add3A_71 : vector<768x768xf32>
      %div3A = arith.divf %mul3A, %add3A_72 : vector<768x768xf32>
      %iota3A = tpu.iota {dimensions = array<i32: 0>} : vector<768x768xi32>
      %iota3A_73 = tpu.iota {dimensions = array<i32: 1>} : vector<768x768xi32>
      %gt3A_74 = arith.constant 5.000000e-01 : f32
      %gt3A_75 = vector.broadcast %gt3A_74 : f32 to vector<768x768xf32>
      %gt3A_76 = arith.cmpf ogt, %div3A, %gt3A_75 : vector<768x768xf32>
      %lt3A = arith.cmpi slt, %iota3A, %iota3A_73 : vector<768x768xi32>
      %and3A = arith.andi %gt3A_76, %lt3A : vector<768x768xi1>
      %jit3A_77 = arith.constant 1.000000e+00 : f32
      %jit3A_78 = arith.constant 0.000000e+00 : f32
      %broadcast_in_dim3A_79 = vector.broadcast %jit3A_77 : f32 to vector<768x768xf32>
      %broadcast_in_dim3A_80 = vector.broadcast %jit3A_78 : f32 to vector<768x768xf32>
      %select_n3A_81 = arith.select %and3A, %broadcast_in_dim3A_79, %broadcast_in_dim3A_80 : vector<768x768xi1>, vector<768x768xf32>
      %while3A_82 = arith.constant 1.000000e+00 : f32
      %while3A_83:2 = scf.while (%while3A_130 = %reshape3A_49, %while3A_131 = %while3A_82) : (vector<1x768xf32>, f32) -> (vector<1x768xf32>, f32) {
        %gt3A_132 = arith.constant 0.000000e+00 : f32
        %gt3A_133 = arith.cmpf ogt, %while3A_131, %gt3A_132 : f32
        scf.condition(%gt3A_133) %while3A_130, %while3A_131 : vector<1x768xf32>, f32
      } do {
      ^bb0(%while3A_130: vector<1x768xf32>, %while3A_131: f32):
        %reshape3A_132 = vector.shape_cast %while3A_130 : vector<1x768xf32> to vector<768x1xf32>
        %mul3A_133 = vector.broadcast %reshape3A_132 : vector<768x1xf32> to vector<768x768xf32>
        %mul3A_134 = arith.mulf %select_n3A_81, %mul3A_133 : vector<768x768xf32>
        %reduce_max3A = arith.constant dense<0xFF800000> : vector<768xf32>
        %reduce_max3A_135 = vector.multi_reduction <maximumf>, %mul3A_134, %reduce_max3A [0] : vector<768x768xf32> to vector<768xf32>
        %broadcast_in_dim3A_136 = vector.shape_cast %reduce_max3A_135 : vector<768xf32> to vector<1x768xf32>
        %gt3A_137 = arith.constant 0.000000e+00 : f32
        %gt3A_138 = vector.broadcast %gt3A_137 : f32 to vector<1x768xf32>
        %gt3A_139 = arith.cmpf ogt, %broadcast_in_dim3A_136, %gt3A_138 : vector<1x768xf32>
        %jit3A_140 = arith.constant 0.000000e+00 : f32
        %broadcast_in_dim3A_141 = vector.broadcast %jit3A_140 : f32 to vector<1x768xf32>
        %select_n3A_142 = arith.select %gt3A_139, %broadcast_in_dim3A_141, %reshape3A_49 : vector<1x768xi1>, vector<1x768xf32>
        %sub3A_143 = arith.subf %select_n3A_142, %while3A_130 : vector<1x768xf32>
        %abs3A = math.absf %sub3A_143 : vector<1x768xf32>
        %reduce_sum3A = vector.shape_cast %abs3A : vector<1x768xf32> to vector<1x1x768xf32>
        %reduce_sum3A_144 = arith.constant dense<0.000000e+00> : vector<1xf32>
        %reduce_sum3A_145 = vector.multi_reduction <add>, %reduce_sum3A, %reduce_sum3A_144 [1, 2] : vector<1x1x768xf32> to vector<1xf32>
        %reduce_sum3A_146 = vector.shape_cast %reduce_sum3A_145 : vector<1xf32> to vector<1x1x1xf32>
        %reduce_sum3A_147 = vector.extract %reduce_sum3A_146[0, 0, 0] : f32 from vector<1x1x1xf32>
        scf.yield %select_n3A_142, %reduce_sum3A_147 : vector<1x768xf32>, f32
      }
      %mul3A_84 = arith.mulf %get3A_28, %while3A_83#0 : vector<1x768xf32>
      %swap3A = arith.index_cast %scan3A_4 : i32 to index
      %swap3A_85 = arith.constant 0 : index
      %swap3A_86 = arith.constant 0 : index
      %swap3A_87 = vector.load %arg11[%swap3A, %swap3A_85, %swap3A_86] : memref<27x1x768xf32, #tpu.memory_space<vmem>>, vector<1x1x768xf32>
      %swap3A_88 = vector.shape_cast %swap3A_87 : vector<1x1x768xf32> to vector<1x768xf32>
      %swap3A_89 = vector.shape_cast %mul3A_84 : vector<1x768xf32> to vector<1x1x768xf32>
      tpu.vector_store %arg11[%swap3A, %swap3A_85, %swap3A_86], %swap3A_89 {strides = array<i32>} : memref<27x1x768xf32, #tpu.memory_space<vmem>>, vector<1x1x768xf32>,
      %mul3A_90 = arith.mulf %get3A_8, %while3A_83#0 : vector<1x768xf32>
      %swap3A_91 = arith.index_cast %scan3A_4 : i32 to index
      %swap3A_92 = arith.constant 0 : index
      %swap3A_93 = arith.constant 0 : index
      %swap3A_94 = vector.load %arg6[%swap3A_91, %swap3A_92, %swap3A_93] : memref<27x1x768xf32, #tpu.memory_space<vmem>>, vector<1x1x768xf32>
      %swap3A_95 = vector.shape_cast %swap3A_94 : vector<1x1x768xf32> to vector<1x768xf32>
      %swap3A_96 = vector.shape_cast %mul3A_90 : vector<1x768xf32> to vector<1x1x768xf32>
      tpu.vector_store %arg6[%swap3A_91, %swap3A_92, %swap3A_93], %swap3A_96 {strides = array<i32>} : memref<27x1x768xf32, #tpu.memory_space<vmem>>, vector<1x1x768xf32>,
      %mul3A_97 = arith.mulf %get3A_13, %while3A_83#0 : vector<1x768xf32>
      %swap3A_98 = arith.index_cast %scan3A_4 : i32 to index
      %swap3A_99 = arith.constant 0 : index
      %swap3A_100 = arith.constant 0 : index
      %swap3A_101 = vector.load %arg7[%swap3A_98, %swap3A_99, %swap3A_100] : memref<27x1x768xf32, #tpu.memory_space<vmem>>, vector<1x1x768xf32>
      %swap3A_102 = vector.shape_cast %swap3A_101 : vector<1x1x768xf32> to vector<1x768xf32>
      %swap3A_103 = vector.shape_cast %mul3A_97 : vector<1x768xf32> to vector<1x1x768xf32>
      tpu.vector_store %arg7[%swap3A_98, %swap3A_99, %swap3A_100], %swap3A_103 {strides = array<i32>} : memref<27x1x768xf32, #tpu.memory_space<vmem>>, vector<1x1x768xf32>,
      %mul3A_104 = arith.mulf %get3A_18, %while3A_83#0 : vector<1x768xf32>
      %swap3A_105 = arith.index_cast %scan3A_4 : i32 to index
      %swap3A_106 = arith.constant 0 : index
      %swap3A_107 = arith.constant 0 : index
      %swap3A_108 = vector.load %arg8[%swap3A_105, %swap3A_106, %swap3A_107] : memref<27x1x768xf32, #tpu.memory_space<vmem>>, vector<1x1x768xf32>
      %swap3A_109 = vector.shape_cast %swap3A_108 : vector<1x1x768xf32> to vector<1x768xf32>
      %swap3A_110 = vector.shape_cast %mul3A_104 : vector<1x768xf32> to vector<1x1x768xf32>
      tpu.vector_store %arg8[%swap3A_105, %swap3A_106, %swap3A_107], %swap3A_110 {strides = array<i32>} : memref<27x1x768xf32, #tpu.memory_space<vmem>>, vector<1x1x768xf32>,
      %mul3A_111 = arith.mulf %get3A_23, %while3A_83#0 : vector<1x768xf32>
      %swap3A_112 = arith.index_cast %scan3A_4 : i32 to index
      %swap3A_113 = arith.constant 0 : index
      %swap3A_114 = arith.constant 0 : index
      %swap3A_115 = vector.load %arg9[%swap3A_112, %swap3A_113, %swap3A_114] : memref<27x1x768xf32, #tpu.memory_space<vmem>>, vector<1x1x768xf32>
      %swap3A_116 = vector.shape_cast %swap3A_115 : vector<1x1x768xf32> to vector<1x768xf32>
      %swap3A_117 = vector.shape_cast %mul3A_111 : vector<1x768xf32> to vector<1x1x768xf32>
      tpu.vector_store %arg9[%swap3A_112, %swap3A_113, %swap3A_114], %swap3A_117 {strides = array<i32>} : memref<27x1x768xf32, #tpu.memory_space<vmem>>, vector<1x1x768xf32>,
      %get3A_118 = arith.index_cast %scan3A_4 : i32 to index
      %get3A_119 = arith.constant 0 : index
      %get3A_120 = arith.constant 0 : index
      %get3A_121 = vector.load %arg5[%get3A_118, %get3A_119, %get3A_120] : memref<27x1x768xf32, #tpu.memory_space<vmem>>, vector<1x1x768xf32>
      %get3A_122 = vector.shape_cast %get3A_121 : vector<1x1x768xf32> to vector<1x768xf32>
      %mul3A_123 = arith.mulf %get3A_122, %while3A_83#0 : vector<1x768xf32>
      %swap3A_124 = arith.index_cast %scan3A_4 : i32 to index
      %swap3A_125 = arith.constant 0 : index
      %swap3A_126 = arith.constant 0 : index
      %swap3A_127 = vector.load %arg10[%swap3A_124, %swap3A_125, %swap3A_126] : memref<27x1x768xf32, #tpu.memory_space<vmem>>, vector<1x1x768xf32>
      %swap3A_128 = vector.shape_cast %swap3A_127 : vector<1x1x768xf32> to vector<1x768xf32>
      %swap3A_129 = vector.shape_cast %mul3A_123 : vector<1x768xf32> to vector<1x1x768xf32>
      tpu.vector_store %arg10[%swap3A_124, %swap3A_125, %swap3A_126], %swap3A_129 {strides = array<i32>} : memref<27x1x768xf32, #tpu.memory_space<vmem>>, vector<1x1x768xf32>,
    }
    %scan3A_3 = arith.constant 27 : i32
    return
  }
}

</mosaic_0001>

<sc_bundles>
// kernel: gather_offload_async_start.1
scs
__scs_entry_jumppad:
0x0: {  	(pc) =	sbr.rel $0x88, $3  }
0x1: {  	(tag) =	ssettag $0x0;
	lr =	simm.s32 $0x1  }
0x2: {  	[smem:$0x3F9F] =	sst lr;
	_ =	strace $0xD0000000  }
0x3: {  	_ = 	snop  }
0x4: {  	_ = 	snop  }
0x5: {  	_ = 	snop  }
0x6: {  	_ = 	snop  }
0x7: {  	_ = 	snop  }
__scs_overlays_trampoline_lowered:
0x8: {  	[smem:$0x3FAE] =	sst s0  }
0x9: {  	[smem:$0x3FAF] =	sst s1  }
0xa: {  	[smem:$0x3FB0] =	sst s2  }
0xb: {  	[smem:$0x3FB1] =	sst s3  }
0xc: {  	[smem:$0x3FB2] =	sst s4  }
0xd: {  	[smem:$0x3FB3] =	sst s5  }
0xe: {  	[smem:$0x3FB4] =	sst s6  }
0xf: {  	[smem:$0x3FB5] =	sst s7  }
0x10: {  	[smem:$0x3FB6] =	sst s8  }
0x11: {  	[smem:$0x3FB7] =	sst s9;
	s0 =	simm.s32 @!p0 $0x0  }
0x12: {  	s1 =	sld [smem:$0x3F9D];
	s0 =	simm.s32 @p0 $0x1  }
0x13: {  	[smem:$0x3FB8] =	sst s0;
	s0 =	simm.s32 @!p1 $0x0  }
0x14: {  	s2 =	sld [smem:$0x3F9C];
	s0 =	simm.s32 @p1 $0x1  }
0x15: {  	[smem:$0x3FB9] =	sst s0;
	s0 =	simm.s32 @!p2 $0x0  }
0x16: {  	s3 =	sld [smem:$0x3FDB];
	s0 =	simm.s32 @p2 $0x1  }
0x17: {  	s4 =	simm.s32 $0x1BF5;
	[smem:$0x3FBB] =	sst s0  }
0x18: {  	s0 =	sld [smem:$0x3F9E];
	_ =	swait.ge [sflag:s4], $0x0  }
0x19: {  	s7 =	sld [smem:$0x3F9F]  }
0x1a: {  	s8 =	sadd.s32 $0xFFFFE003, lr  }
0x1b: {  	s9 =	sadd.s32 $0xFFFFFEF7, lr;
	s5 =	simm.s32 $0xFFFFFFFF;
	p2 =	slt.u32 s8, $0xFFFFF086  }
0x1c: {  	p1 =	slt.u32 s9, $0xF7A;
	s5 =	simm.s32 @!p2 $0x0  }
0x1d: {  	s5 =	simm.s32 @p1 $0x1;
	p0 =	seq.s32 s7, s2  }
0x1e: {  	s7 =	smul.u32 @!p0 $0xF7A, s2;
	p2 =	seq.s32 @!p0 s5, $0x0  }
0x1f: {  	s9 =	smul.u32 $0xF7A, s1;
	s8 =	simm.s32 @!p0 $0x1BF5;
	p2 =	por !p2, p0  }
0x20: {  	[sflag:s8] =	ssyncset.s32 @!p0 $0xFFFFF086;
	s6 =	sadd.s32 @!p0 s3, s7;
	s7 =	simm.s32 @!p0 $0x108  }
0x21: {  	s3 =	sadd.s32 s3, s9;
	s6 =	sadd.s32 @!p0 $0x88, s6;
	s7 =	simm.s32 @p2 $0x1082  }
0x22: {  	[simem:s7], [sflag:s8] =	dma.local @!p0 [hbm:s6], $0xF7A  }
0x23: {  	s9 =	sor.u32 $0xD0000000, s2;
	s6 =	simm.s32 $0x108;
	_ =	swait.ge @!p0 [sflag:s8], $0x0  }
0x24: {  	s3 =	sadd.s32 $0x88, s3;
	s6 =	simm.s32 @!p1 $0x1082;
	[sflag:s4] =	ssyncset.s32 $0xFFFFF086  }
0x25: {  	[simem:s6], [sflag:s4] =	dma.local [hbm:s3], $0xF7A  }
0x26: {  	[smem:$0x3F9F] =	sst s1;
	(tag) =	ssettag s2;
	_ =	strace s9  }
0x27: {  	s1 =	sld [smem:$0x3FAF]  }
0x28: {  	s2 =	sld [smem:$0x3FB0]  }
0x29: {  	s4 =	sld [smem:$0x3FB2]  }
0x2a: {  	p0 =	seq.s32 s5, $0x0;
	s5 =	sld [smem:$0x3FB3]  }
0x2b: {  	s6 =	sld [smem:$0x3FB4]  }
0x2c: {  	s7 =	sld [smem:$0x3FB5]  }
0x2d: {  	s3 =	simm.s32 $0x108;
	s8 =	sld [smem:$0x3FB6]  }
0x2e: {  	s3 =	simm.s32 @!p0 $0x1082;
	s9 =	sld [smem:$0x3FB7]  }
0x2f: {  	lr =	sadd.s32 s0, s3;
	s0 =	sld [smem:$0x3FAE]  }
0x30: {  	s3 =	sld [smem:$0x3FB1]  }
0x31: {  	[smem:$0x3FBA] =	sst s10  }
0x32: {  	s10 =	sld [smem:$0x3FB8];
	_ =	sdelay $0x3  }
0x33: {  	p0 =	seq.s32 s10, $0x1;
	s10 =	sld [smem:$0x3FBA];
	_ =	sdelay $0x3  }
0x34: {  	[smem:$0x3FBA] =	sst s10  }
0x35: {  	s10 =	sld [smem:$0x3FB9];
	_ =	sdelay $0x3  }
0x36: {  	p1 =	seq.s32 s10, $0x1;
	s10 =	sld [smem:$0x3FBA];
	_ =	sdelay $0x3  }
0x37: {  	[smem:$0x3FBA] =	sst s10  }
0x38: {  	s10 =	sld [smem:$0x3FBB]  }
0x39: {  	_ = 	snop;
	(pc) =	sbr.ind lr, $3  }
0x3a: {  	_ = 	snop  }
0x3b: {  	_ = 	snop  }
0x3c: {  	p2 =	seq.s32 s10, $0x1;
	s10 =	sld [smem:$0x3FBA]  }
0x3d: {  	_ =	shalt  }
0x3e: {  	_ =	shalt  }
0x3f: {  	_ =	shalt  }
0x40: {  	_ =	shalt  }
0x41: {  	_ =	shalt  }
0x42: {  	_ =	shalt  }
0x43: {  	_ =	shalt  }
0x44: {  	_ =	shalt  }
0x45: {  	_ =	shalt  }
0x46: {  	_ =	shalt  }
0x47: {  	_ =	shalt  }
0x48: {  	_ =	shalt  }
0x49: {  	_ =	shalt  }
0x4a: {  	_ =	shalt  }
0x4b: {  	_ =	shalt  }
0x4c: {  	_ =	shalt  }
0x4d: {  	_ =	shalt  }
0x4e: {  	_ =	shalt  }
0x4f: {  	_ =	shalt  }
0x50: {  	_ =	shalt  }
0x51: {  	_ =	shalt  }
0x52: {  	_ =	shalt  }
0x53: {  	_ =	shalt  }
0x54: {  	_ =	shalt  }
0x55: {  	_ =	shalt  }
0x56: {  	_ =	shalt  }
0x57: {  	_ =	shalt  }
0x58: {  	_ =	shalt  }
0x59: {  	_ =	shalt  }
0x5a: {  	_ =	shalt  }
0x5b: {  	_ =	shalt  }
0x5c: {  	_ =	shalt  }
0x5d: {  	_ =	shalt  }
0x5e: {  	_ =	shalt  }
0x5f: {  	_ =	shalt  }
0x60: {  	_ =	shalt  }
0x61: {  	_ =	shalt  }
0x62: {  	_ =	shalt  }
0x63: {  	_ =	shalt  }
0x64: {  	_ =	shalt  }
0x65: {  	_ =	shalt  }
0x66: {  	_ =	shalt  }
0x67: {  	_ =	shalt  }
0x68: {  	_ =	shalt  }
0x69: {  	_ =	shalt  }
0x6a: {  	_ =	shalt  }
0x6b: {  	_ =	shalt  }
0x6c: {  	_ =	shalt  }
0x6d: {  	_ =	shalt  }
0x6e: {  	_ =	shalt  }
0x6f: {  	_ =	shalt  }
0x70: {  	_ =	shalt  }
0x71: {  	_ =	shalt  }
0x72: {  	_ =	shalt  }
0x73: {  	_ =	shalt  }
0x74: {  	_ =	shalt  }
0x75: {  	_ =	shalt  }
0x76: {  	_ =	shalt  }
0x77: {  	_ =	shalt  }
0x78: {  	_ =	shalt  }
0x79: {  	_ =	shalt  }
0x7a: {  	_ =	shalt  }
0x7b: {  	_ =	shalt  }
0x7c: {  	_ =	shalt  }
0x7d: {  	_ =	shalt  }
0x7e: {  	_ =	shalt  }
0x7f: {  	_ =	shalt  }
0x80: {  	_ =	shalt  }
0x81: {  	_ =	shalt  }
0x82: {  	_ =	shalt  }
0x83: {  	_ =	shalt  }
0x84: {  	_ =	shalt  }
0x85: {  	_ =	shalt  }
0x86: {  	_ =	shalt  }
0x87: {  	_ =	shalt  }
.Lfunc_end0:
.L_simem_size_0:
called_computation.1_lowered:
.L_overlay_start_0:
0x88: {  	s2 =	sld [smem:$0x3FD9]  }
0x89: {  	s3 =	sld [smem:$0x3FFE];
	_ =	sdelay $0x1  }
0x8a: {  	s1 =	srdreg.scid  }
0x8b: {  	s0 =	sand.u32 $0x1, s1  }
0x8c: {  	s16 =	sshll.u32 s0, $0xA;
	s2 =	sadd.s32 s3, s2  }
0x8d: {  	s2 =	sadd.s32 s2, s16  }
0x8e: {  	[smem:$0x3FC6] =	sst s2  }
0x8f: {  	_ = 	snop  }
0x90: {  	(tm) =	ssettm $0x1  }
0x91: {  	s17 =	sld [smem:$0x3FFB];
	_ =	sdelay $0x3  }
0x92: {  	_ =	strace s17  }
0x93: {  	s2 =	sld [smem:$0x3FFC];
	_ =	sdelay $0x3  }
0x94: {  	_ =	strace s2  }
0x95: {  	s2 =	sld [smem:$0x3FFD];
	_ =	sdelay $0x3  }
0x96: {  	_ =	strace s2  }
0x97: {  	_ =	strace $0x8FFFFFFF  }
0x98: {  	s18 =	sld [smem:$0x3FDB];
	_ =	sdelay $0x1  }
0x99: {  	s19 =	simm.s32 $_scs_section_size  }
0x9a: {  	s4 =	simm.s32 $_size__tile_overlayer_lowered;
	s5 =	simm.s32 $_tile_overlayer_lowered  }
0x9b: {  	s22 =	simm.s32 $0x1BFF;
	s21 =	sshll.u32 s5, $0x1;
	s2 =	sadd.s32 s19, s18  }
0x9c: {  	s6 =	simm.s32 $0x0;
	s20 =	sshll.u32 s4, $0x1;
	s4 =	sadd.s32 s21, s2  }
0x9d: {  	[timem:s6], [sflag:s22] =	dma.local [hbm:s4], s20  }
0x9e: {  	_ =	swait.ge [sflag:s22], s20  }
0x9f: {  	s3 =	ssub.s32 $0x0, s20;
	[sflag:s22] =	ssyncset.done $0x0  }
0xa0: {  	[sflag:s22] =	ssyncadd.s32 s3;
	_ =	sdelay $0x1  }
0xa1: {  	s23 =	simm.s32 $0x1B8B  }
0xa2: {  	_ =	swait.ge [sflag:s23], $0x1  }
0xa3: {  	[sflag:s23] =	ssyncset.done $0x0  }
0xa4: {  	s25 =	simm.s32 $0x1B8E;
	s24 =	sld [smem:$0x3FFE];
	[sflag:s23] =	ssyncadd.s32 $0xFFFFFFFF  }
0xa5: {  	s26 =	simm.s32 $execute0_lowered;
	[smem:$0x3FD2] =	sst s25  }
0xa6: {  	s4 =	sshll.u32 s26, $0x1;
	_ =	strace $0x8000004F;
	[dreg:$0x1] =	wrdreg $0xFFFFFFFF  }
0xa7: {  	s28 =	simm.s32 $_size_execute0_lowered;
	s2 =	sadd.s32 s2, s4;
	[dreg:$0x0] =	wrdreg $0x0  }
0xa8: {  	s4 =	sshll.u32 s28, $0x1;
	[dreg:$0x2] =	wrdreg s2  }
0xa9: {  	[dreg:$0x3] =	wrdreg s4  }
0xaa: {  	[dreg:$0x4] =	wrdreg $0xC0  }
0xab: {  	_ =	task [dreg:s6], $0x5FFFF  }
0xac: {  	[dreg:$0x1] =	wrdreg $0xFFFFFFFF  }
0xad: {  	[dreg:$0x0] =	wrdreg $0x60  }
0xae: {  	[dreg:$0x2] =	wrdreg s24  }
0xaf: {  	[dreg:$0x3] =	wrdreg $0x9  }
0xb0: {  	_ =	task.clear_ibuf [dreg:s6], $0x4FFFF;
	_ =	strace $0x9000004F  }
0xb1: {  	s29 =	simm.s32 $0x9;
	_ =	strace $0x80000051  }
0xb2: {  	_ =	swait.ge [sflag:s29], $0x1  }
0xb3: {  	[sflag:s29] =	ssyncadd.s32 $0xFFFFFFFF  }
0xb4: {  	_ =	strace $0x90000051  }
0xb5: {  	_ =	sfence  }
0xb6: {  	s30 =	sld [smem:$0x0];
	_ =	sdelay $0x2  }
0xb7: {  	s31 =	sshll.u32 s1, $0xD;
	s1 =	sshrl.u32 s1, $0x2  }
0xb8: {  	s3 =	sand.u32 $0x4000, s31;
	s1 =	sadd.s32 s1, s30  }
0xb9: {  	s0 =	sor.u32 s3, s0;
	s1 =	sshll.u32 s1, $0x11  }
0xba: {  	s0 =	sor.u32 s1, s0  }
0xbb: {  	s0 =	sadd.s32 $0x8F2B, s0  }
0xbc: {  	[sflag:s0] =	ssyncadd.remote.s32 $0x1  }
0xbd: {  	_ =	sfence.sel $0xFFFF  }
0xbe: {  	[dreg:$0x0] =	wrdreg $0xFFFFFFFF;
	(pc) =	sbr.abs _section_cstart, $3  }
0xbf: {  	[dreg:$0x1] =	wrdreg $0xFFFFFFFF  }
0xc0: {  	_ =	task.clear_ibuf [dreg:s6], $0x2FFFF;
	_ =	strace $0x9FFFFFFF  }
0xc1: {  	(tm) =	ssettm $0x7FFFFFFF  }
tec
execute0_lowered:
.L_overlay_start_1:
0x0: {  	(tag) =	ssettag $0x1  }
0x1: {  	s2 =	rddreg [dreg:$0x0]  }
0x2: {  	s0 =	rddreg [dreg:$0x1];
	s1 =	stileid.u32  }
0x3: {  	s3 =	srdreg.scid;
	_ =	strace $0x80000050;
	s4 =	simm.s32 $0x1  }
0x4: {  	s7 =	simm.s32 $0x1;
	s8 =	simm.s32 $0x1;
	s9 =	simm.s32 $0x3  }
0x5: {  	s10 =	simm.s32 $0x0;
	s5 =	sand.u32 $0x1, s3;
	s6 =	sshll.u32 s1, $0x1  }
0x6: {  	s13 =	simm.s32 $0x0;
	s12 =	simm.s32 $0x0;
	s5 =	sor.u32 s6, s5  }
.Ltmp0:
0x7: {  	[sflag:s4] =	ssyncpa.u1 $0x0;
	p0 =	slt.u32 s5, $0x13;
	(pc) =	sbr.rel .LBB2_1-.Ltmp0, $4  }
0x8: {  	s6 =	simm.s32 $0x2;
	s7 =	simm.s32 @!p0 $0x0;
	p0 =	sne.s32 s5, $0x12  }
0x9: {  	[sflag:s6] =	ssyncpa.u1 $0x0;
	s5 =	smul.u32 $0x190, s5;
	s8 =	simm.s32 @!p0 $0x0  }
0xa: {  	s3 =	sadd.s32 $0x1E00, s2;
	[sflag:s9] =	ssyncpa.u1 $0x0;
	s7 =	sadd.s32 s8, s7  }
0xb: {  	vm0 =	vmmov $0xffff;
	s8 =	sadd.s32 $0x1400, s2;
	s11 =	smov.u32 s5;
	s9 =	sadd.s32 $0x1, s7  }
.LBB2_4:
0xc: {  	v2 =	vnsel vm1, $0x0, v2  }
0xd: {  	vm1 =	vgt.s32 v0, $0x0;
	v2 =	vmin.u32 v2, $0x4E1F  }
0xe: {  	v0 =	vnsel vm1, $0x0, v0  }
0xf: {  	v0 =	vmin.u32 v0, $0x4E1F  }
0x10: {  	[tilespmem:s18], [sflag:$0x1] =	stream.indirect_vreg.gather [hbm4b:s3+s10], $0x1, v1, vm0, $0x4038;
	[tilespmem:$0x640] =	vst v63  }
0x11: {  	(ifvalue) =	ssetifvalue $0x7FFFFFFF  }
0x12: {  	[tilespmem:s15], [sflag:$0x1] =	stream.indirect_vreg.gather [hbm4b:s3+s10], $0x1, v2, vm0, $0x4038;
	[tilespmem:$0x640] =	vst v63  }
0x13: {  	s29 =	sadd.s32 $0x10, s15;
	(ifvalue) =	ssetifvalue $0x7FFFFFFF  }
0x14: {  	[tilespmem:s29], [sflag:$0x1] =	stream.indirect_vreg.gather [hbm4b:s3+s10], $0x1, v0, vm0, $0x4038;
	[tilespmem:$0x640] =	vst v63  }
0x15: {  	_ =	swait.ge [sflag:s4], $0x190  }
0x16: {  	s30 =	sshrl.u32 s13, $0x3;
	[sflag:s4] =	ssyncset.done $0x0  }
0x17: {  	s31 =	sand.u32 $0x7, s13;
	s15 =	sadd.s32 s8, s30;
	[sflag:s4] =	ssyncadd.s32 $0xFFFFFE70  }
0x18: {  	[hbm4b:s15+s31] =	stream.linear.scatter [tilespmem:s14], [sflag:$0x3], $0x190, $0x38;
	[tilespmem:$0x640] =	vst v63  }
.LBB2_5:
0x19: {  	s15 =	sadd.s32 $0x3200, s11  }
0x1a: {  	p1 =	sgt.s32 s15, $0x4E1F  }
0x1b: {  	s15 =	smov.u32 @p1 s5;
	p1 =	sne.s32 s12, s9  }
.Ltmp1:
0x1c: {  	p0 =	slt.u32 s12, $0x2;
	(pc) =	sbr.rel @!p1 .LBB2_6-.Ltmp1, $4  }
0x1d: {  	s14 =	simm.s32 @!p0 $0x3  }
0x1e: {  	_ =	swait.ge @!p0 [sflag:s14], $0x190  }
0x1f: {  	s16 =	sadd.s32 $0x1, s12;
	s13 =	smov.u32 s11;
	[sflag:s14] =	ssyncset.done @!p0 $0x0  }
0x20: {  	s12 =	smov.u32 s16;
	s11 =	smov.u32 s15;
	[sflag:s14] =	ssyncadd.s32 @!p0 $0xFFFFFE70  }
.LBB2_1:
0x21: {  	p0 =	sge.u32 s12, s7  }
0x22: {  	s14 =	sxor.u32 @!p0 $0x1, s12  }
0x23: {  	s14 =	smul.u32 @!p0 $0x640, s14  }
0x24: {  	s31 =	sadd.s32 $0xFFFFFFFF, s12;
	s15 =	sshrl.u32 @!p0 s11, $0x3  }
0x25: {  	s16 =	sand.u32 @!p0 $0x7, s11;
	s15 =	sadd.s32 @!p0 s2, s15;
	s14 =	sshra.s32 @!p0 s14, $0x2  }
0x26: {  	[tilespmem:s14], [sflag:$0x2] =	stream.linear.gather @!p0 [hbm4b:s15+s16], $0x190, $0x38;
	[tilespmem:$0x640] =	vst v63  }
0x27: {  	p0 =	sge.u32 s31, s7  }
.Ltmp2:
0x28: {  	_ = 	snop;
	(pc) =	sbr.rel @p0 .LBB2_5-.Ltmp2, $1  }
0x29: {  	_ =	sdelay $0x3  }
0x2a: {  	s14 =	sand.u32 $0x1, s12  }
0x2b: {  	_ =	swait.ge [sflag:s6], $0x190;
	p0 =	seq.s32 s14, $0x1;
	s14 =	simm.s32 $0x190  }
0x2c: {  	[sflag:s6] =	ssyncset.done $0x0;
	s14 =	simm.s32 @!p0 $0x0  }
0x2d: {  	[sflag:s6] =	ssyncadd.s32 $0xFFFFFE70;
	(ifvalue) =	ssetifvalue $0x7FFFFFFF;
	v0 =	vld.msk [tilespmem:s14+$0x0 ss:$0x1], $0xffff;
	_ =	sdelay $0x4  }
0x2e: {  	s15 =	sadd.s32 $0x10, s14;
	vm1 =	vgt.s32 v0, $0x0  }
0x2f: {  	v2 =	vld.msk [tilespmem:s15+$0x0 ss:$0x1], $0xffff;
	v1 =	vnsel vm1, $0x0, v0  }
0x30: {  	v1 =	vmin.u32 v1, $0x4E1F;
	_ =	sdelay $0x2  }
0x31: {  	s17 =	simm.s32 $0x20;
	s14 =	sadd.s32 $0x320, s14;
	s16 =	sadd.s32 $0x10, s15  }
0x32: {  	s15 =	sadd.s32 $0x10, s14;
	s18 =	smov.u32 s14;
	v0 =	vld.msk [tilespmem:s16+$0x0 ss:$0x1], $0xffff;
	vm1 =	vgt.s32 v2, $0x0;
	(ifvalue) =	ssetifvalue $0x7FFFFFFF  }
.LBB2_3:
0x33: {  	[tilespmem:s18], [sflag:$0x1] =	stream.indirect_vreg.gather [hbm4b:s3+s10], $0x1, v1, vm0, $0x4038;
	[tilespmem:$0x640] =	vst v63  }
0x34: {  	s17 =	sadd.s32 $0x10, s17  }
0x35: {  	v2 =	vnsel vm1, $0x0, v2;
	p0 =	slt.u32 s17, $0x180  }
.Ltmp3:
0x36: {  	s18 =	smov.u32 s15;
	v1 =	vmin.u32 v2, $0x4E1F;
	(pc) =	sbr.rel @p0 .LBB2_3-.Ltmp3, $3  }
0x37: {  	_ =	sdelay $0x1  }
0x38: {  	s16 =	sadd.s32 $0x10, s16  }
0x39: {  	vm1 =	vgt.s32 v0, $0x0;
	s15 =	sadd.s32 $0x10, s15;
	v2 =	vmov v0;
	(ifvalue) =	ssetifvalue $0x7FFFFFFF;
	v0 =	vld.msk [tilespmem:s16+$0x0 ss:$0x1], $0xffff  }
.Ltmp4:
0x3a: {  	_ = 	snop;
	(pc) =	sbr.rel .LBB2_4-.Ltmp4, $1  }
0x3b: {  	_ =	sdelay $0x3  }
.LBB2_6:
0x3c: {  	_ =	sfence.sel $0x180000  }
0x3d: {  	s2 =	simm.s32 $0x2;
	[bflag:$0x0] =	sbarrier.arrive $0xFFFF  }
0x3e: {  	s30 =	simm.s32 $0x3;
	[sflag:s2] =	ssyncpa.u1 $0x1  }
0x3f: {  	s31 =	simm.s32 $0x1;
	[sflag:s30] =	ssyncpa.u1 $0x1  }
0x40: {  	[sflag:s31] =	ssyncpa.u1 $0x1  }
0x41: {  	p0 =	sne.s32 s1, $0x0;
	_ =	strace $0x90000050  }
0x42: {  	s0 =	sadd.s32 @!p0 $0x100000, s0;
	[bflag:$0x2] =	sbarrier.arrive $0xFFFF  }
0x43: {  	[sflag:s0] =	ssyncadd.tile.s32 @!p0 $0x1;
	_ =	shalt  }
.Lfunc_end2:
_tile_overlayer_lowered:
.L_overlay_start_2:
0x44: {  	(tag) =	ssettag $0x2  }
0x45: {  	s0 =	rddreg [dreg:$0x0];
	s2 =	stileid.u32  }
0x46: {  	s1 =	rddreg [dreg:$0x1];
	p0 =	sne.s32 s2, $0x0  }
0x47: {  	s3 =	rddreg [dreg:$0x2];
	[bflag:$0x3] =	sbarrier.arrive $0xFFFF;
	s2 =	simm.s32 @!p0 $0x1C01  }
0x48: {  	[timem:s3], [sflag:s2] =	dma.local @!p0 [hbm:s0], s1  }
0x49: {  	s0 =	simm.s32 @!p0 $0x1  }
0x4a: {  	_ =	swait.ge @!p0 [sflag:s0], s1  }
0x4b: {  	s1 =	ssub.s32 @!p0 $0x0, s1;
	[sflag:s0] =	ssyncset.done @!p0 $0x0  }
0x4c: {  	[sflag:s0] =	ssyncadd.s32 @!p0 s1  }
0x4d: {  	[bflag:$0x3] =	sbarrier.arrive $0xFFFF  }
0x4e: {  	_ =	shalt  }

// kernel: gather_offload_async_start.2
scs
__scs_entry_jumppad:
0x0: {  	(pc) =	sbr.rel $0x88, $3  }
0x1: {  	(tag) =	ssettag $0x0;
	lr =	simm.s32 $0x1  }
0x2: {  	[smem:$0x3F9F] =	sst lr;
	_ =	strace $0xD0000000  }
0x3: {  	_ = 	snop  }
0x4: {  	_ = 	snop  }
0x5: {  	_ = 	snop  }
0x6: {  	_ = 	snop  }
0x7: {  	_ = 	snop  }
__scs_overlays_trampoline_lowered:
0x8: {  	[smem:$0x3FAE] =	sst s0  }
0x9: {  	[smem:$0x3FAF] =	sst s1  }
0xa: {  	[smem:$0x3FB0] =	sst s2  }
0xb: {  	[smem:$0x3FB1] =	sst s3  }
0xc: {  	[smem:$0x3FB2] =	sst s4  }
0xd: {  	[smem:$0x3FB3] =	sst s5  }
0xe: {  	[smem:$0x3FB4] =	sst s6  }
0xf: {  	[smem:$0x3FB5] =	sst s7  }
0x10: {  	[smem:$0x3FB6] =	sst s8  }
0x11: {  	[smem:$0x3FB7] =	sst s9;
	s0 =	simm.s32 @!p0 $0x0  }
0x12: {  	s1 =	sld [smem:$0x3F9D];
	s0 =	simm.s32 @p0 $0x1  }
0x13: {  	[smem:$0x3FB8] =	sst s0;
	s0 =	simm.s32 @!p1 $0x0  }
0x14: {  	s2 =	sld [smem:$0x3F9C];
	s0 =	simm.s32 @p1 $0x1  }
0x15: {  	[smem:$0x3FB9] =	sst s0;
	s0 =	simm.s32 @!p2 $0x0  }
0x16: {  	s3 =	sld [smem:$0x3FDB];
	s0 =	simm.s32 @p2 $0x1  }
0x17: {  	s4 =	simm.s32 $0x1BF5;
	[smem:$0x3FBB] =	sst s0  }
0x18: {  	s0 =	sld [smem:$0x3F9E];
	_ =	swait.ge [sflag:s4], $0x0  }
0x19: {  	s7 =	sld [smem:$0x3F9F]  }
0x1a: {  	s8 =	sadd.s32 $0xFFFFE003, lr  }
0x1b: {  	s9 =	sadd.s32 $0xFFFFFEF7, lr;
	s5 =	simm.s32 $0xFFFFFFFF;
	p2 =	slt.u32 s8, $0xFFFFF086  }
0x1c: {  	p1 =	slt.u32 s9, $0xF7A;
	s5 =	simm.s32 @!p2 $0x0  }
0x1d: {  	s5 =	simm.s32 @p1 $0x1;
	p0 =	seq.s32 s7, s2  }
0x1e: {  	s7 =	smul.u32 @!p0 $0xF7A, s2;
	p2 =	seq.s32 @!p0 s5, $0x0  }
0x1f: {  	s9 =	smul.u32 $0xF7A, s1;
	s8 =	simm.s32 @!p0 $0x1BF5;
	p2 =	por !p2, p0  }
0x20: {  	[sflag:s8] =	ssyncset.s32 @!p0 $0xFFFFF086;
	s6 =	sadd.s32 @!p0 s3, s7;
	s7 =	simm.s32 @!p0 $0x108  }
0x21: {  	s3 =	sadd.s32 s3, s9;
	s6 =	sadd.s32 @!p0 $0x88, s6;
	s7 =	simm.s32 @p2 $0x1082  }
0x22: {  	[simem:s7], [sflag:s8] =	dma.local @!p0 [hbm:s6], $0xF7A  }
0x23: {  	s9 =	sor.u32 $0xD0000000, s2;
	s6 =	simm.s32 $0x108;
	_ =	swait.ge @!p0 [sflag:s8], $0x0  }
0x24: {  	s3 =	sadd.s32 $0x88, s3;
	s6 =	simm.s32 @!p1 $0x1082;
	[sflag:s4] =	ssyncset.s32 $0xFFFFF086  }
0x25: {  	[simem:s6], [sflag:s4] =	dma.local [hbm:s3], $0xF7A  }
0x26: {  	[smem:$0x3F9F] =	sst s1;
	(tag) =	ssettag s2;
	_ =	strace s9  }
0x27: {  	s1 =	sld [smem:$0x3FAF]  }
0x28: {  	s2 =	sld [smem:$0x3FB0]  }
0x29: {  	s4 =	sld [smem:$0x3FB2]  }
0x2a: {  	p0 =	seq.s32 s5, $0x0;
	s5 =	sld [smem:$0x3FB3]  }
0x2b: {  	s6 =	sld [smem:$0x3FB4]  }
0x2c: {  	s7 =	sld [smem:$0x3FB5]  }
0x2d: {  	s3 =	simm.s32 $0x108;
	s8 =	sld [smem:$0x3FB6]  }
0x2e: {  	s3 =	simm.s32 @!p0 $0x1082;
	s9 =	sld [smem:$0x3FB7]  }
0x2f: {  	lr =	sadd.s32 s0, s3;
	s0 =	sld [smem:$0x3FAE]  }
0x30: {  	s3 =	sld [smem:$0x3FB1]  }
0x31: {  	[smem:$0x3FBA] =	sst s10  }
0x32: {  	s10 =	sld [smem:$0x3FB8];
	_ =	sdelay $0x3  }
0x33: {  	p0 =	seq.s32 s10, $0x1;
	s10 =	sld [smem:$0x3FBA];
	_ =	sdelay $0x3  }
0x34: {  	[smem:$0x3FBA] =	sst s10  }
0x35: {  	s10 =	sld [smem:$0x3FB9];
	_ =	sdelay $0x3  }
0x36: {  	p1 =	seq.s32 s10, $0x1;
	s10 =	sld [smem:$0x3FBA];
	_ =	sdelay $0x3  }
0x37: {  	[smem:$0x3FBA] =	sst s10  }
0x38: {  	s10 =	sld [smem:$0x3FBB]  }
0x39: {  	_ = 	snop;
	(pc) =	sbr.ind lr, $3  }
0x3a: {  	_ = 	snop  }
0x3b: {  	_ = 	snop  }
0x3c: {  	p2 =	seq.s32 s10, $0x1;
	s10 =	sld [smem:$0x3FBA]  }
0x3d: {  	_ =	shalt  }
0x3e: {  	_ =	shalt  }
0x3f: {  	_ =	shalt  }
0x40: {  	_ =	shalt  }
0x41: {  	_ =	shalt  }
0x42: {  	_ =	shalt  }
0x43: {  	_ =	shalt  }
0x44: {  	_ =	shalt  }
0x45: {  	_ =	shalt  }
0x46: {  	_ =	shalt  }
0x47: {  	_ =	shalt  }
0x48: {  	_ =	shalt  }
0x49: {  	_ =	shalt  }
0x4a: {  	_ =	shalt  }
0x4b: {  	_ =	shalt  }
0x4c: {  	_ =	shalt  }
0x4d: {  	_ =	shalt  }
0x4e: {  	_ =	shalt  }
0x4f: {  	_ =	shalt  }
0x50: {  	_ =	shalt  }
0x51: {  	_ =	shalt  }
0x52: {  	_ =	shalt  }
0x53: {  	_ =	shalt  }
0x54: {  	_ =	shalt  }
0x55: {  	_ =	shalt  }
0x56: {  	_ =	shalt  }
0x57: {  	_ =	shalt  }
0x58: {  	_ =	shalt  }
0x59: {  	_ =	shalt  }
0x5a: {  	_ =	shalt  }
0x5b: {  	_ =	shalt  }
0x5c: {  	_ =	shalt  }
0x5d: {  	_ =	shalt  }
0x5e: {  	_ =	shalt  }
0x5f: {  	_ =	shalt  }
0x60: {  	_ =	shalt  }
0x61: {  	_ =	shalt  }
0x62: {  	_ =	shalt  }
0x63: {  	_ =	shalt  }
0x64: {  	_ =	shalt  }
0x65: {  	_ =	shalt  }
0x66: {  	_ =	shalt  }
0x67: {  	_ =	shalt  }
0x68: {  	_ =	shalt  }
0x69: {  	_ =	shalt  }
0x6a: {  	_ =	shalt  }
0x6b: {  	_ =	shalt  }
0x6c: {  	_ =	shalt  }
0x6d: {  	_ =	shalt  }
0x6e: {  	_ =	shalt  }
0x6f: {  	_ =	shalt  }
0x70: {  	_ =	shalt  }
0x71: {  	_ =	shalt  }
0x72: {  	_ =	shalt  }
0x73: {  	_ =	shalt  }
0x74: {  	_ =	shalt  }
0x75: {  	_ =	shalt  }
0x76: {  	_ =	shalt  }
0x77: {  	_ =	shalt  }
0x78: {  	_ =	shalt  }
0x79: {  	_ =	shalt  }
0x7a: {  	_ =	shalt  }
0x7b: {  	_ =	shalt  }
0x7c: {  	_ =	shalt  }
0x7d: {  	_ =	shalt  }
0x7e: {  	_ =	shalt  }
0x7f: {  	_ =	shalt  }
0x80: {  	_ =	shalt  }
0x81: {  	_ =	shalt  }
0x82: {  	_ =	shalt  }
0x83: {  	_ =	shalt  }
0x84: {  	_ =	shalt  }
0x85: {  	_ =	shalt  }
0x86: {  	_ =	shalt  }
0x87: {  	_ =	shalt  }
.Lfunc_end0:
.L_simem_size_0:
called_computation.2_lowered:
.L_overlay_start_0:
0x88: {  	s2 =	sld [smem:$0x3FD9]  }
0x89: {  	s3 =	sld [smem:$0x3FFE];
	_ =	sdelay $0x1  }
0x8a: {  	s1 =	srdreg.scid  }
0x8b: {  	s0 =	sand.u32 $0x1, s1  }
0x8c: {  	s16 =	sshll.u32 s0, $0xA;
	s2 =	sadd.s32 s3, s2  }
0x8d: {  	s2 =	sadd.s32 s2, s16  }
0x8e: {  	[smem:$0x3FC6] =	sst s2  }
0x8f: {  	_ = 	snop  }
0x90: {  	(tm) =	ssettm $0x1  }
0x91: {  	s17 =	sld [smem:$0x3FFB];
	_ =	sdelay $0x3  }
0x92: {  	_ =	strace s17  }
0x93: {  	s2 =	sld [smem:$0x3FFC];
	_ =	sdelay $0x3  }
0x94: {  	_ =	strace s2  }
0x95: {  	s2 =	sld [smem:$0x3FFD];
	_ =	sdelay $0x3  }
0x96: {  	_ =	strace s2  }
0x97: {  	_ =	strace $0x8FFFFFFF  }
0x98: {  	s18 =	sld [smem:$0x3FDB];
	_ =	sdelay $0x1  }
0x99: {  	s19 =	simm.s32 $_scs_section_size  }
0x9a: {  	s4 =	simm.s32 $_size__tile_overlayer_lowered;
	s5 =	simm.s32 $_tile_overlayer_lowered  }
0x9b: {  	s22 =	simm.s32 $0x1BFF;
	s21 =	sshll.u32 s5, $0x1;
	s2 =	sadd.s32 s19, s18  }
0x9c: {  	s6 =	simm.s32 $0x0;
	s20 =	sshll.u32 s4, $0x1;
	s4 =	sadd.s32 s21, s2  }
0x9d: {  	[timem:s6], [sflag:s22] =	dma.local [hbm:s4], s20  }
0x9e: {  	_ =	swait.ge [sflag:s22], s20  }
0x9f: {  	s3 =	ssub.s32 $0x0, s20;
	[sflag:s22] =	ssyncset.done $0x0  }
0xa0: {  	[sflag:s22] =	ssyncadd.s32 s3;
	_ =	sdelay $0x1  }
0xa1: {  	s23 =	simm.s32 $0x1B8B  }
0xa2: {  	_ =	swait.ge [sflag:s23], $0x1  }
0xa3: {  	[sflag:s23] =	ssyncset.done $0x0  }
0xa4: {  	s25 =	simm.s32 $0x1B8E;
	s24 =	sld [smem:$0x3FFE];
	[sflag:s23] =	ssyncadd.s32 $0xFFFFFFFF  }
0xa5: {  	s26 =	simm.s32 $execute0_lowered;
	[smem:$0x3FD2] =	sst s25  }
0xa6: {  	s4 =	sshll.u32 s26, $0x1;
	_ =	strace $0x80000052;
	[dreg:$0x1] =	wrdreg $0xFFFFFFFF  }
0xa7: {  	s28 =	simm.s32 $_size_execute0_lowered;
	s2 =	sadd.s32 s2, s4;
	[dreg:$0x0] =	wrdreg $0x0  }
0xa8: {  	s4 =	sshll.u32 s28, $0x1;
	[dreg:$0x2] =	wrdreg s2  }
0xa9: {  	[dreg:$0x3] =	wrdreg s4  }
0xaa: {  	[dreg:$0x4] =	wrdreg $0xC0  }
0xab: {  	_ =	task [dreg:s6], $0x5FFFF  }
0xac: {  	[dreg:$0x1] =	wrdreg $0xFFFFFFFF  }
0xad: {  	[dreg:$0x0] =	wrdreg $0x60  }
0xae: {  	[dreg:$0x2] =	wrdreg s24  }
0xaf: {  	[dreg:$0x3] =	wrdreg $0x9  }
0xb0: {  	_ =	task.clear_ibuf [dreg:s6], $0x4FFFF;
	_ =	strace $0x90000052  }
0xb1: {  	s29 =	simm.s32 $0x9;
	_ =	strace $0x80000054  }
0xb2: {  	_ =	swait.ge [sflag:s29], $0x1  }
0xb3: {  	[sflag:s29] =	ssyncadd.s32 $0xFFFFFFFF  }
0xb4: {  	_ =	strace $0x90000054  }
0xb5: {  	_ =	sfence  }
0xb6: {  	s30 =	sld [smem:$0x0];
	_ =	sdelay $0x2  }
0xb7: {  	s31 =	sshll.u32 s1, $0xD;
	s1 =	sshrl.u32 s1, $0x2  }
0xb8: {  	s3 =	sand.u32 $0x4000, s31;
	s1 =	sadd.s32 s1, s30  }
0xb9: {  	s0 =	sor.u32 s3, s0;
	s1 =	sshll.u32 s1, $0x11  }
0xba: {  	s0 =	sor.u32 s1, s0  }
0xbb: {  	s0 =	sadd.s32 $0x8F2B, s0  }
0xbc: {  	[sflag:s0] =	ssyncadd.remote.s32 $0x1  }
0xbd: {  	_ =	sfence.sel $0xFFFF  }
0xbe: {  	[dreg:$0x0] =	wrdreg $0xFFFFFFFF;
	(pc) =	sbr.abs _section_cstart, $3  }
0xbf: {  	[dreg:$0x1] =	wrdreg $0xFFFFFFFF  }
0xc0: {  	_ =	task.clear_ibuf [dreg:s6], $0x2FFFF;
	_ =	strace $0x9FFFFFFF  }
0xc1: {  	(tm) =	ssettm $0x7FFFFFFF  }
tec
execute0_lowered:
.L_overlay_start_1:
0x0: {  	(tag) =	ssettag $0x1  }
0x1: {  	s2 =	rddreg [dreg:$0x0]  }
0x2: {  	s0 =	rddreg [dreg:$0x1];
	s1 =	stileid.u32  }
0x3: {  	s3 =	srdreg.scid;
	_ =	strace $0x80000053;
	s4 =	simm.s32 $0x1  }
0x4: {  	s7 =	simm.s32 $0x1;
	s8 =	simm.s32 $0x1;
	s9 =	simm.s32 $0x3  }
0x5: {  	s10 =	simm.s32 $0x0;
	s5 =	sand.u32 $0x1, s3;
	s6 =	sshll.u32 s1, $0x1  }
0x6: {  	s13 =	simm.s32 $0x0;
	s12 =	simm.s32 $0x0;
	s5 =	sor.u32 s6, s5  }
.Ltmp0:
0x7: {  	[sflag:s4] =	ssyncpa.u1 $0x0;
	p0 =	slt.u32 s5, $0x13;
	(pc) =	sbr.rel .LBB2_1-.Ltmp0, $4  }
0x8: {  	s6 =	simm.s32 $0x2;
	s7 =	simm.s32 @!p0 $0x0;
	p0 =	sne.s32 s5, $0x12  }
0x9: {  	[sflag:s6] =	ssyncpa.u1 $0x0;
	s5 =	smul.u32 $0x190, s5;
	s8 =	simm.s32 @!p0 $0x0  }
0xa: {  	s3 =	sadd.s32 $0x2800, s2;
	[sflag:s9] =	ssyncpa.u1 $0x0;
	s7 =	sadd.s32 s8, s7  }
0xb: {  	vm0 =	vmmov $0xffff;
	s8 =	sadd.s32 $0x1E00, s2;
	s11 =	smov.u32 s5;
	s9 =	sadd.s32 $0x1, s7  }
.LBB2_4:
0xc: {  	v2 =	vnsel vm1, $0x0, v2  }
0xd: {  	vm1 =	vgt.s32 v0, $0x0;
	v2 =	vmin.u32 v2, $0x4E1F  }
0xe: {  	v0 =	vnsel vm1, $0x0, v0  }
0xf: {  	v0 =	vmin.u32 v0, $0x4E1F  }
0x10: {  	[tilespmem:s18], [sflag:$0x1] =	stream.indirect_vreg.gather [hbm4b:s3+s10], $0x1, v1, vm0, $0x4038;
	[tilespmem:$0x640] =	vst v63  }
0x11: {  	(ifvalue) =	ssetifvalue $0x7FFFFFFF  }
0x12: {  	[tilespmem:s15], [sflag:$0x1] =	stream.indirect_vreg.gather [hbm4b:s3+s10], $0x1, v2, vm0, $0x4038;
	[tilespmem:$0x640] =	vst v63  }
0x13: {  	s29 =	sadd.s32 $0x10, s15;
	(ifvalue) =	ssetifvalue $0x7FFFFFFF  }
0x14: {  	[tilespmem:s29], [sflag:$0x1] =	stream.indirect_vreg.gather [hbm4b:s3+s10], $0x1, v0, vm0, $0x4038;
	[tilespmem:$0x640] =	vst v63  }
0x15: {  	_ =	swait.ge [sflag:s4], $0x190  }
0x16: {  	s30 =	sshrl.u32 s13, $0x3;
	[sflag:s4] =	ssyncset.done $0x0  }
0x17: {  	s31 =	sand.u32 $0x7, s13;
	s15 =	sadd.s32 s8, s30;
	[sflag:s4] =	ssyncadd.s32 $0xFFFFFE70  }
0x18: {  	[hbm4b:s15+s31] =	stream.linear.scatter [tilespmem:s14], [sflag:$0x3], $0x190, $0x38;
	[tilespmem:$0x640] =	vst v63  }
.LBB2_5:
0x19: {  	s15 =	sadd.s32 $0x3200, s11  }
0x1a: {  	p1 =	sgt.s32 s15, $0x4E1F  }
0x1b: {  	s15 =	smov.u32 @p1 s5;
	p1 =	sne.s32 s12, s9  }
.Ltmp1:
0x1c: {  	p0 =	slt.u32 s12, $0x2;
	(pc) =	sbr.rel @!p1 .LBB2_6-.Ltmp1, $4  }
0x1d: {  	s14 =	simm.s32 @!p0 $0x3  }
0x1e: {  	_ =	swait.ge @!p0 [sflag:s14], $0x190  }
0x1f: {  	s16 =	sadd.s32 $0x1, s12;
	s13 =	smov.u32 s11;
	[sflag:s14] =	ssyncset.done @!p0 $0x0  }
0x20: {  	s12 =	smov.u32 s16;
	s11 =	smov.u32 s15;
	[sflag:s14] =	ssyncadd.s32 @!p0 $0xFFFFFE70  }
.LBB2_1:
0x21: {  	p0 =	sge.u32 s12, s7  }
0x22: {  	s14 =	sxor.u32 @!p0 $0x1, s12  }
0x23: {  	s14 =	smul.u32 @!p0 $0x640, s14  }
0x24: {  	s31 =	sadd.s32 $0xFFFFFFFF, s12;
	s15 =	sshrl.u32 @!p0 s11, $0x3  }
0x25: {  	s16 =	sand.u32 @!p0 $0x7, s11;
	s15 =	sadd.s32 @!p0 s2, s15;
	s14 =	sshra.s32 @!p0 s14, $0x2  }
0x26: {  	[tilespmem:s14], [sflag:$0x2] =	stream.linear.gather @!p0 [hbm4b:s15+s16], $0x190, $0x38;
	[tilespmem:$0x640] =	vst v63  }
0x27: {  	p0 =	sge.u32 s31, s7  }
.Ltmp2:
0x28: {  	_ = 	snop;
	(pc) =	sbr.rel @p0 .LBB2_5-.Ltmp2, $1  }
0x29: {  	_ =	sdelay $0x3  }
0x2a: {  	s14 =	sand.u32 $0x1, s12  }
0x2b: {  	_ =	swait.ge [sflag:s6], $0x190;
	p0 =	seq.s32 s14, $0x1;
	s14 =	simm.s32 $0x190  }
0x2c: {  	[sflag:s6] =	ssyncset.done $0x0;
	s14 =	simm.s32 @!p0 $0x0  }
0x2d: {  	[sflag:s6] =	ssyncadd.s32 $0xFFFFFE70;
	(ifvalue) =	ssetifvalue $0x7FFFFFFF;
	v0 =	vld.msk [tilespmem:s14+$0x0 ss:$0x1], $0xffff;
	_ =	sdelay $0x4  }
0x2e: {  	s15 =	sadd.s32 $0x10, s14;
	vm1 =	vgt.s32 v0, $0x0  }
0x2f: {  	v2 =	vld.msk [tilespmem:s15+$0x0 ss:$0x1], $0xffff;
	v1 =	vnsel vm1, $0x0, v0  }
0x30: {  	v1 =	vmin.u32 v1, $0x4E1F;
	_ =	sdelay $0x2  }
0x31: {  	s17 =	simm.s32 $0x20;
	s14 =	sadd.s32 $0x320, s14;
	s16 =	sadd.s32 $0x10, s15  }
0x32: {  	s15 =	sadd.s32 $0x10, s14;
	s18 =	smov.u32 s14;
	v0 =	vld.msk [tilespmem:s16+$0x0 ss:$0x1], $0xffff;
	vm1 =	vgt.s32 v2, $0x0;
	(ifvalue) =	ssetifvalue $0x7FFFFFFF  }
.LBB2_3:
0x33: {  	[tilespmem:s18], [sflag:$0x1] =	stream.indirect_vreg.gather [hbm4b:s3+s10], $0x1, v1, vm0, $0x4038;
	[tilespmem:$0x640] =	vst v63  }
0x34: {  	s17 =	sadd.s32 $0x10, s17  }
0x35: {  	v2 =	vnsel vm1, $0x0, v2;
	p0 =	slt.u32 s17, $0x180  }
.Ltmp3:
0x36: {  	s18 =	smov.u32 s15;
	v1 =	vmin.u32 v2, $0x4E1F;
	(pc) =	sbr.rel @p0 .LBB2_3-.Ltmp3, $3  }
0x37: {  	_ =	sdelay $0x1  }
0x38: {  	s16 =	sadd.s32 $0x10, s16  }
0x39: {  	vm1 =	vgt.s32 v0, $0x0;
	s15 =	sadd.s32 $0x10, s15;
	v2 =	vmov v0;
	(ifvalue) =	ssetifvalue $0x7FFFFFFF;
	v0 =	vld.msk [tilespmem:s16+$0x0 ss:$0x1], $0xffff  }
.Ltmp4:
0x3a: {  	_ = 	snop;
	(pc) =	sbr.rel .LBB2_4-.Ltmp4, $1  }
0x3b: {  	_ =	sdelay $0x3  }
.LBB2_6:
0x3c: {  	_ =	sfence.sel $0x180000  }
0x3d: {  	s2 =	simm.s32 $0x2;
	[bflag:$0x0] =	sbarrier.arrive $0xFFFF  }
0x3e: {  	s30 =	simm.s32 $0x3;
	[sflag:s2] =	ssyncpa.u1 $0x1  }
0x3f: {  	s31 =	simm.s32 $0x1;
	[sflag:s30] =	ssyncpa.u1 $0x1  }
0x40: {  	[sflag:s31] =	ssyncpa.u1 $0x1  }
0x41: {  	p0 =	sne.s32 s1, $0x0;
	_ =	strace $0x90000053  }
0x42: {  	s0 =	sadd.s32 @!p0 $0x100000, s0;
	[bflag:$0x2] =	sbarrier.arrive $0xFFFF  }
0x43: {  	[sflag:s0] =	ssyncadd.tile.s32 @!p0 $0x1;
	_ =	shalt  }
.Lfunc_end2:
_tile_overlayer_lowered:
.L_overlay_start_2:
0x44: {  	(tag) =	ssettag $0x2  }
0x45: {  	s0 =	rddreg [dreg:$0x0];
	s2 =	stileid.u32  }
0x46: {  	s1 =	rddreg [dreg:$0x1];
	p0 =	sne.s32 s2, $0x0  }
0x47: {  	s3 =	rddreg [dreg:$0x2];
	[bflag:$0x3] =	sbarrier.arrive $0xFFFF;
	s2 =	simm.s32 @!p0 $0x1C01  }
0x48: {  	[timem:s3], [sflag:s2] =	dma.local @!p0 [hbm:s0], s1  }
0x49: {  	s0 =	simm.s32 @!p0 $0x1  }
0x4a: {  	_ =	swait.ge @!p0 [sflag:s0], s1  }
0x4b: {  	s1 =	ssub.s32 @!p0 $0x0, s1;
	[sflag:s0] =	ssyncset.done @!p0 $0x0  }
0x4c: {  	[sflag:s0] =	ssyncadd.s32 @!p0 s1  }
0x4d: {  	[bflag:$0x3] =	sbarrier.arrive $0xFFFF  }
0x4e: {  	_ =	shalt  }

// kernel: gather_offload_async_start.3
scs
__scs_entry_jumppad:
0x0: {  	(pc) =	sbr.rel $0x88, $3  }
0x1: {  	(tag) =	ssettag $0x0;
	lr =	simm.s32 $0x1  }
0x2: {  	[smem:$0x3F9F] =	sst lr;
	_ =	strace $0xD0000000  }
0x3: {  	_ = 	snop  }
0x4: {  	_ = 	snop  }
0x5: {  	_ = 	snop  }
0x6: {  	_ = 	snop  }
0x7: {  	_ = 	snop  }
__scs_overlays_trampoline_lowered:
0x8: {  	[smem:$0x3FAE] =	sst s0  }
0x9: {  	[smem:$0x3FAF] =	sst s1  }
0xa: {  	[smem:$0x3FB0] =	sst s2  }
0xb: {  	[smem:$0x3FB1] =	sst s3  }
0xc: {  	[smem:$0x3FB2] =	sst s4  }
0xd: {  	[smem:$0x3FB3] =	sst s5  }
0xe: {  	[smem:$0x3FB4] =	sst s6  }
0xf: {  	[smem:$0x3FB5] =	sst s7  }
0x10: {  	[smem:$0x3FB6] =	sst s8  }
0x11: {  	[smem:$0x3FB7] =	sst s9;
	s0 =	simm.s32 @!p0 $0x0  }
0x12: {  	s1 =	sld [smem:$0x3F9D];
	s0 =	simm.s32 @p0 $0x1  }
0x13: {  	[smem:$0x3FB8] =	sst s0;
	s0 =	simm.s32 @!p1 $0x0  }
0x14: {  	s2 =	sld [smem:$0x3F9C];
	s0 =	simm.s32 @p1 $0x1  }
0x15: {  	[smem:$0x3FB9] =	sst s0;
	s0 =	simm.s32 @!p2 $0x0  }
0x16: {  	s3 =	sld [smem:$0x3FDB];
	s0 =	simm.s32 @p2 $0x1  }
0x17: {  	s4 =	simm.s32 $0x1BF5;
	[smem:$0x3FBB] =	sst s0  }
0x18: {  	s0 =	sld [smem:$0x3F9E];
	_ =	swait.ge [sflag:s4], $0x0  }
0x19: {  	s7 =	sld [smem:$0x3F9F]  }
0x1a: {  	s8 =	sadd.s32 $0xFFFFE003, lr  }
0x1b: {  	s9 =	sadd.s32 $0xFFFFFEF7, lr;
	s5 =	simm.s32 $0xFFFFFFFF;
	p2 =	slt.u32 s8, $0xFFFFF086  }
0x1c: {  	p1 =	slt.u32 s9, $0xF7A;
	s5 =	simm.s32 @!p2 $0x0  }
0x1d: {  	s5 =	simm.s32 @p1 $0x1;
	p0 =	seq.s32 s7, s2  }
0x1e: {  	s7 =	smul.u32 @!p0 $0xF7A, s2;
	p2 =	seq.s32 @!p0 s5, $0x0  }
0x1f: {  	s9 =	smul.u32 $0xF7A, s1;
	s8 =	simm.s32 @!p0 $0x1BF5;
	p2 =	por !p2, p0  }
0x20: {  	[sflag:s8] =	ssyncset.s32 @!p0 $0xFFFFF086;
	s6 =	sadd.s32 @!p0 s3, s7;
	s7 =	simm.s32 @!p0 $0x108  }
0x21: {  	s3 =	sadd.s32 s3, s9;
	s6 =	sadd.s32 @!p0 $0x88, s6;
	s7 =	simm.s32 @p2 $0x1082  }
0x22: {  	[simem:s7], [sflag:s8] =	dma.local @!p0 [hbm:s6], $0xF7A  }
0x23: {  	s9 =	sor.u32 $0xD0000000, s2;
	s6 =	simm.s32 $0x108;
	_ =	swait.ge @!p0 [sflag:s8], $0x0  }
0x24: {  	s3 =	sadd.s32 $0x88, s3;
	s6 =	simm.s32 @!p1 $0x1082;
	[sflag:s4] =	ssyncset.s32 $0xFFFFF086  }
0x25: {  	[simem:s6], [sflag:s4] =	dma.local [hbm:s3], $0xF7A  }
0x26: {  	[smem:$0x3F9F] =	sst s1;
	(tag) =	ssettag s2;
	_ =	strace s9  }
0x27: {  	s1 =	sld [smem:$0x3FAF]  }
0x28: {  	s2 =	sld [smem:$0x3FB0]  }
0x29: {  	s4 =	sld [smem:$0x3FB2]  }
0x2a: {  	p0 =	seq.s32 s5, $0x0;
	s5 =	sld [smem:$0x3FB3]  }
0x2b: {  	s6 =	sld [smem:$0x3FB4]  }
0x2c: {  	s7 =	sld [smem:$0x3FB5]  }
0x2d: {  	s3 =	simm.s32 $0x108;
	s8 =	sld [smem:$0x3FB6]  }
0x2e: {  	s3 =	simm.s32 @!p0 $0x1082;
	s9 =	sld [smem:$0x3FB7]  }
0x2f: {  	lr =	sadd.s32 s0, s3;
	s0 =	sld [smem:$0x3FAE]  }
0x30: {  	s3 =	sld [smem:$0x3FB1]  }
0x31: {  	[smem:$0x3FBA] =	sst s10  }
0x32: {  	s10 =	sld [smem:$0x3FB8];
	_ =	sdelay $0x3  }
0x33: {  	p0 =	seq.s32 s10, $0x1;
	s10 =	sld [smem:$0x3FBA];
	_ =	sdelay $0x3  }
0x34: {  	[smem:$0x3FBA] =	sst s10  }
0x35: {  	s10 =	sld [smem:$0x3FB9];
	_ =	sdelay $0x3  }
0x36: {  	p1 =	seq.s32 s10, $0x1;
	s10 =	sld [smem:$0x3FBA];
	_ =	sdelay $0x3  }
0x37: {  	[smem:$0x3FBA] =	sst s10  }
0x38: {  	s10 =	sld [smem:$0x3FBB]  }
0x39: {  	_ = 	snop;
	(pc) =	sbr.ind lr, $3  }
0x3a: {  	_ = 	snop  }
0x3b: {  	_ = 	snop  }
0x3c: {  	p2 =	seq.s32 s10, $0x1;
	s10 =	sld [smem:$0x3FBA]  }
0x3d: {  	_ =	shalt  }
0x3e: {  	_ =	shalt  }
0x3f: {  	_ =	shalt  }
0x40: {  	_ =	shalt  }
0x41: {  	_ =	shalt  }
0x42: {  	_ =	shalt  }
0x43: {  	_ =	shalt  }
0x44: {  	_ =	shalt  }
0x45: {  	_ =	shalt  }
0x46: {  	_ =	shalt  }
0x47: {  	_ =	shalt  }
0x48: {  	_ =	shalt  }
0x49: {  	_ =	shalt  }
0x4a: {  	_ =	shalt  }
0x4b: {  	_ =	shalt  }
0x4c: {  	_ =	shalt  }
0x4d: {  	_ =	shalt  }
0x4e: {  	_ =	shalt  }
0x4f: {  	_ =	shalt  }
0x50: {  	_ =	shalt  }
0x51: {  	_ =	shalt  }
0x52: {  	_ =	shalt  }
0x53: {  	_ =	shalt  }
0x54: {  	_ =	shalt  }
0x55: {  	_ =	shalt  }
0x56: {  	_ =	shalt  }
0x57: {  	_ =	shalt  }
0x58: {  	_ =	shalt  }
0x59: {  	_ =	shalt  }
0x5a: {  	_ =	shalt  }
0x5b: {  	_ =	shalt  }
0x5c: {  	_ =	shalt  }
0x5d: {  	_ =	shalt  }
0x5e: {  	_ =	shalt  }
0x5f: {  	_ =	shalt  }
0x60: {  	_ =	shalt  }
0x61: {  	_ =	shalt  }
0x62: {  	_ =	shalt  }
0x63: {  	_ =	shalt  }
0x64: {  	_ =	shalt  }
0x65: {  	_ =	shalt  }
0x66: {  	_ =	shalt  }
0x67: {  	_ =	shalt  }
0x68: {  	_ =	shalt  }
0x69: {  	_ =	shalt  }
0x6a: {  	_ =	shalt  }
0x6b: {  	_ =	shalt  }
0x6c: {  	_ =	shalt  }
0x6d: {  	_ =	shalt  }
0x6e: {  	_ =	shalt  }
0x6f: {  	_ =	shalt  }
0x70: {  	_ =	shalt  }
0x71: {  	_ =	shalt  }
0x72: {  	_ =	shalt  }
0x73: {  	_ =	shalt  }
0x74: {  	_ =	shalt  }
0x75: {  	_ =	shalt  }
0x76: {  	_ =	shalt  }
0x77: {  	_ =	shalt  }
0x78: {  	_ =	shalt  }
0x79: {  	_ =	shalt  }
0x7a: {  	_ =	shalt  }
0x7b: {  	_ =	shalt  }
0x7c: {  	_ =	shalt  }
0x7d: {  	_ =	shalt  }
0x7e: {  	_ =	shalt  }
0x7f: {  	_ =	shalt  }
0x80: {  	_ =	shalt  }
0x81: {  	_ =	shalt  }
0x82: {  	_ =	shalt  }
0x83: {  	_ =	shalt  }
0x84: {  	_ =	shalt  }
0x85: {  	_ =	shalt  }
0x86: {  	_ =	shalt  }
0x87: {  	_ =	shalt  }
.Lfunc_end0:
.L_simem_size_0:
called_computation.3_lowered:
.L_overlay_start_0:
0x88: {  	s2 =	sld [smem:$0x3FD9]  }
0x89: {  	s3 =	sld [smem:$0x3FFE];
	_ =	sdelay $0x1  }
0x8a: {  	s1 =	srdreg.scid  }
0x8b: {  	s0 =	sand.u32 $0x1, s1  }
0x8c: {  	s16 =	sshll.u32 s0, $0xA;
	s2 =	sadd.s32 s3, s2  }
0x8d: {  	s2 =	sadd.s32 s2, s16  }
0x8e: {  	[smem:$0x3FC6] =	sst s2  }
0x8f: {  	_ = 	snop  }
0x90: {  	(tm) =	ssettm $0x1  }
0x91: {  	s17 =	sld [smem:$0x3FFB];
	_ =	sdelay $0x3  }
0x92: {  	_ =	strace s17  }
0x93: {  	s2 =	sld [smem:$0x3FFC];
	_ =	sdelay $0x3  }
0x94: {  	_ =	strace s2  }
0x95: {  	s2 =	sld [smem:$0x3FFD];
	_ =	sdelay $0x3  }
0x96: {  	_ =	strace s2  }
0x97: {  	_ =	strace $0x8FFFFFFF  }
0x98: {  	s18 =	sld [smem:$0x3FDB];
	_ =	sdelay $0x1  }
0x99: {  	s19 =	simm.s32 $_scs_section_size  }
0x9a: {  	s4 =	simm.s32 $_size__tile_overlayer_lowered;
	s5 =	simm.s32 $_tile_overlayer_lowered  }
0x9b: {  	s22 =	simm.s32 $0x1BFF;
	s21 =	sshll.u32 s5, $0x1;
	s2 =	sadd.s32 s19, s18  }
0x9c: {  	s6 =	simm.s32 $0x0;
	s20 =	sshll.u32 s4, $0x1;
	s4 =	sadd.s32 s21, s2  }
0x9d: {  	[timem:s6], [sflag:s22] =	dma.local [hbm:s4], s20  }
0x9e: {  	_ =	swait.ge [sflag:s22], s20  }
0x9f: {  	s3 =	ssub.s32 $0x0, s20;
	[sflag:s22] =	ssyncset.done $0x0  }
0xa0: {  	[sflag:s22] =	ssyncadd.s32 s3;
	_ =	sdelay $0x1  }
0xa1: {  	s23 =	simm.s32 $0x1B8B  }
0xa2: {  	_ =	swait.ge [sflag:s23], $0x1  }
0xa3: {  	[sflag:s23] =	ssyncset.done $0x0  }
0xa4: {  	s25 =	simm.s32 $0x1B8E;
	s24 =	sld [smem:$0x3FFE];
	[sflag:s23] =	ssyncadd.s32 $0xFFFFFFFF  }
0xa5: {  	s26 =	simm.s32 $execute0_lowered;
	[smem:$0x3FD2] =	sst s25  }
0xa6: {  	s4 =	sshll.u32 s26, $0x1;
	_ =	strace $0x80000049;
	[dreg:$0x1] =	wrdreg $0xFFFFFFFF  }
0xa7: {  	s28 =	simm.s32 $_size_execute0_lowered;
	s2 =	sadd.s32 s2, s4;
	[dreg:$0x0] =	wrdreg $0x0  }
0xa8: {  	s4 =	sshll.u32 s28, $0x1;
	[dreg:$0x2] =	wrdreg s2  }
0xa9: {  	[dreg:$0x3] =	wrdreg s4  }
0xaa: {  	[dreg:$0x4] =	wrdreg $0xC0  }
0xab: {  	_ =	task [dreg:s6], $0x5FFFF  }
0xac: {  	[dreg:$0x1] =	wrdreg $0xFFFFFFFF  }
0xad: {  	[dreg:$0x0] =	wrdreg $0x60  }
0xae: {  	[dreg:$0x2] =	wrdreg s24  }
0xaf: {  	[dreg:$0x3] =	wrdreg $0x9  }
0xb0: {  	_ =	task.clear_ibuf [dreg:s6], $0x4FFFF;
	_ =	strace $0x90000049  }
0xb1: {  	s29 =	simm.s32 $0x9;
	_ =	strace $0x8000004B  }
0xb2: {  	_ =	swait.ge [sflag:s29], $0x1  }
0xb3: {  	[sflag:s29] =	ssyncadd.s32 $0xFFFFFFFF  }
0xb4: {  	_ =	strace $0x9000004B  }
0xb5: {  	_ =	sfence  }
0xb6: {  	s30 =	sld [smem:$0x0];
	_ =	sdelay $0x2  }
0xb7: {  	s31 =	sshll.u32 s1, $0xD;
	s1 =	sshrl.u32 s1, $0x2  }
0xb8: {  	s3 =	sand.u32 $0x4000, s31;
	s1 =	sadd.s32 s1, s30  }
0xb9: {  	s0 =	sor.u32 s3, s0;
	s1 =	sshll.u32 s1, $0x11  }
0xba: {  	s0 =	sor.u32 s1, s0  }
0xbb: {  	s0 =	sadd.s32 $0x8F2B, s0  }
0xbc: {  	[sflag:s0] =	ssyncadd.remote.s32 $0x1  }
0xbd: {  	_ =	sfence.sel $0xFFFF  }
0xbe: {  	[dreg:$0x0] =	wrdreg $0xFFFFFFFF;
	(pc) =	sbr.abs _section_cstart, $3  }
0xbf: {  	[dreg:$0x1] =	wrdreg $0xFFFFFFFF  }
0xc0: {  	_ =	task.clear_ibuf [dreg:s6], $0x2FFFF;
	_ =	strace $0x9FFFFFFF  }
0xc1: {  	(tm) =	ssettm $0x7FFFFFFF  }
tec
execute0_lowered:
.L_overlay_start_1:
0x0: {  	(tag) =	ssettag $0x1  }
0x1: {  	s2 =	rddreg [dreg:$0x0]  }
0x2: {  	s0 =	rddreg [dreg:$0x1];
	s1 =	stileid.u32  }
0x3: {  	s3 =	srdreg.scid;
	_ =	strace $0x8000004A;
	s4 =	simm.s32 $0x1  }
0x4: {  	s7 =	simm.s32 $0x1;
	s8 =	simm.s32 $0x1;
	s9 =	simm.s32 $0x3  }
0x5: {  	s10 =	simm.s32 $0x0;
	s5 =	sand.u32 $0x1, s3;
	s6 =	sshll.u32 s1, $0x1  }
0x6: {  	s13 =	simm.s32 $0x0;
	s12 =	simm.s32 $0x0;
	s5 =	sor.u32 s6, s5  }
.Ltmp0:
0x7: {  	[sflag:s4] =	ssyncpa.u1 $0x0;
	p0 =	slt.u32 s5, $0x13;
	(pc) =	sbr.rel .LBB2_1-.Ltmp0, $4  }
0x8: {  	s6 =	simm.s32 $0x2;
	s7 =	simm.s32 @!p0 $0x0;
	p0 =	sne.s32 s5, $0x12  }
0x9: {  	[sflag:s6] =	ssyncpa.u1 $0x0;
	s5 =	smul.u32 $0x190, s5;
	s8 =	simm.s32 @!p0 $0x0  }
0xa: {  	s3 =	sadd.s32 $0xA00, s2;
	[sflag:s9] =	ssyncpa.u1 $0x0;
	s7 =	sadd.s32 s8, s7  }
0xb: {  	vm0 =	vmmov $0xffff;
	s8 =	sadd.s32 $0x3200, s2;
	s11 =	smov.u32 s5;
	s9 =	sadd.s32 $0x1, s7  }
.LBB2_4:
0xc: {  	v2 =	vnsel vm1, $0x0, v2  }
0xd: {  	vm1 =	vgt.s32 v0, $0x0;
	v2 =	vmin.u32 v2, $0x4E1F  }
0xe: {  	v0 =	vnsel vm1, $0x0, v0  }
0xf: {  	v0 =	vmin.u32 v0, $0x4E1F  }
0x10: {  	[tilespmem:s18], [sflag:$0x1] =	stream.indirect_vreg.gather [hbm4b:s3+s10], $0x1, v1, vm0, $0x4038;
	[tilespmem:$0x640] =	vst v63  }
0x11: {  	(ifvalue) =	ssetifvalue $0x7FFFFFFF  }
0x12: {  	[tilespmem:s15], [sflag:$0x1] =	stream.indirect_vreg.gather [hbm4b:s3+s10], $0x1, v2, vm0, $0x4038;
	[tilespmem:$0x640] =	vst v63  }
0x13: {  	s29 =	sadd.s32 $0x10, s15;
	(ifvalue) =	ssetifvalue $0x7FFFFFFF  }
0x14: {  	[tilespmem:s29], [sflag:$0x1] =	stream.indirect_vreg.gather [hbm4b:s3+s10], $0x1, v0, vm0, $0x4038;
	[tilespmem:$0x640] =	vst v63  }
0x15: {  	_ =	swait.ge [sflag:s4], $0x190  }
0x16: {  	s30 =	sshrl.u32 s13, $0x3;
	[sflag:s4] =	ssyncset.done $0x0  }
0x17: {  	s31 =	sand.u32 $0x7, s13;
	s15 =	sadd.s32 s8, s30;
	[sflag:s4] =	ssyncadd.s32 $0xFFFFFE70  }
0x18: {  	[hbm4b:s15+s31] =	stream.linear.scatter [tilespmem:s14], [sflag:$0x3], $0x190, $0x38;
	[tilespmem:$0x640] =	vst v63  }
.LBB2_5:
0x19: {  	s15 =	sadd.s32 $0x3200, s11  }
0x1a: {  	p1 =	sgt.s32 s15, $0x4E1F  }
0x1b: {  	s15 =	smov.u32 @p1 s5;
	p1 =	sne.s32 s12, s9  }
.Ltmp1:
0x1c: {  	p0 =	slt.u32 s12, $0x2;
	(pc) =	sbr.rel @!p1 .LBB2_6-.Ltmp1, $4  }
0x1d: {  	s14 =	simm.s32 @!p0 $0x3  }
0x1e: {  	_ =	swait.ge @!p0 [sflag:s14], $0x190  }
0x1f: {  	s16 =	sadd.s32 $0x1, s12;
	s13 =	smov.u32 s11;
	[sflag:s14] =	ssyncset.done @!p0 $0x0  }
0x20: {  	s12 =	smov.u32 s16;
	s11 =	smov.u32 s15;
	[sflag:s14] =	ssyncadd.s32 @!p0 $0xFFFFFE70  }
.LBB2_1:
0x21: {  	p0 =	sge.u32 s12, s7  }
0x22: {  	s14 =	sxor.u32 @!p0 $0x1, s12  }
0x23: {  	s14 =	smul.u32 @!p0 $0x640, s14  }
0x24: {  	s31 =	sadd.s32 $0xFFFFFFFF, s12;
	s15 =	sshrl.u32 @!p0 s11, $0x3  }
0x25: {  	s16 =	sand.u32 @!p0 $0x7, s11;
	s15 =	sadd.s32 @!p0 s2, s15;
	s14 =	sshra.s32 @!p0 s14, $0x2  }
0x26: {  	[tilespmem:s14], [sflag:$0x2] =	stream.linear.gather @!p0 [hbm4b:s15+s16], $0x190, $0x38;
	[tilespmem:$0x640] =	vst v63  }
0x27: {  	p0 =	sge.u32 s31, s7  }
.Ltmp2:
0x28: {  	_ = 	snop;
	(pc) =	sbr.rel @p0 .LBB2_5-.Ltmp2, $1  }
0x29: {  	_ =	sdelay $0x3  }
0x2a: {  	s14 =	sand.u32 $0x1, s12  }
0x2b: {  	_ =	swait.ge [sflag:s6], $0x190;
	p0 =	seq.s32 s14, $0x1;
	s14 =	simm.s32 $0x190  }
0x2c: {  	[sflag:s6] =	ssyncset.done $0x0;
	s14 =	simm.s32 @!p0 $0x0  }
0x2d: {  	[sflag:s6] =	ssyncadd.s32 $0xFFFFFE70;
	(ifvalue) =	ssetifvalue $0x7FFFFFFF;
	v0 =	vld.msk [tilespmem:s14+$0x0 ss:$0x1], $0xffff;
	_ =	sdelay $0x4  }
0x2e: {  	s15 =	sadd.s32 $0x10, s14;
	vm1 =	vgt.s32 v0, $0x0  }
0x2f: {  	v2 =	vld.msk [tilespmem:s15+$0x0 ss:$0x1], $0xffff;
	v1 =	vnsel vm1, $0x0, v0  }
0x30: {  	v1 =	vmin.u32 v1, $0x4E1F;
	_ =	sdelay $0x2  }
0x31: {  	s17 =	simm.s32 $0x20;
	s14 =	sadd.s32 $0x320, s14;
	s16 =	sadd.s32 $0x10, s15  }
0x32: {  	s15 =	sadd.s32 $0x10, s14;
	s18 =	smov.u32 s14;
	v0 =	vld.msk [tilespmem:s16+$0x0 ss:$0x1], $0xffff;
	vm1 =	vgt.s32 v2, $0x0;
	(ifvalue) =	ssetifvalue $0x7FFFFFFF  }
.LBB2_3:
0x33: {  	[tilespmem:s18], [sflag:$0x1] =	stream.indirect_vreg.gather [hbm4b:s3+s10], $0x1, v1, vm0, $0x4038;
	[tilespmem:$0x640] =	vst v63  }
0x34: {  	s17 =	sadd.s32 $0x10, s17  }
0x35: {  	v2 =	vnsel vm1, $0x0, v2;
	p0 =	slt.u32 s17, $0x180  }
.Ltmp3:
0x36: {  	s18 =	smov.u32 s15;
	v1 =	vmin.u32 v2, $0x4E1F;
	(pc) =	sbr.rel @p0 .LBB2_3-.Ltmp3, $3  }
0x37: {  	_ =	sdelay $0x1  }
0x38: {  	s16 =	sadd.s32 $0x10, s16  }
0x39: {  	vm1 =	vgt.s32 v0, $0x0;
	s15 =	sadd.s32 $0x10, s15;
	v2 =	vmov v0;
	(ifvalue) =	ssetifvalue $0x7FFFFFFF;
	v0 =	vld.msk [tilespmem:s16+$0x0 ss:$0x1], $0xffff  }
.Ltmp4:
0x3a: {  	_ = 	snop;
	(pc) =	sbr.rel .LBB2_4-.Ltmp4, $1  }
0x3b: {  	_ =	sdelay $0x3  }
.LBB2_6:
0x3c: {  	_ =	sfence.sel $0x180000  }
0x3d: {  	s2 =	simm.s32 $0x2;
	[bflag:$0x0] =	sbarrier.arrive $0xFFFF  }
0x3e: {  	s30 =	simm.s32 $0x3;
	[sflag:s2] =	ssyncpa.u1 $0x1  }
0x3f: {  	s31 =	simm.s32 $0x1;
	[sflag:s30] =	ssyncpa.u1 $0x1  }
0x40: {  	[sflag:s31] =	ssyncpa.u1 $0x1  }
0x41: {  	p0 =	sne.s32 s1, $0x0;
	_ =	strace $0x9000004A  }
0x42: {  	s0 =	sadd.s32 @!p0 $0x100000, s0;
	[bflag:$0x2] =	sbarrier.arrive $0xFFFF  }
0x43: {  	[sflag:s0] =	ssyncadd.tile.s32 @!p0 $0x1;
	_ =	shalt  }
.Lfunc_end2:
_tile_overlayer_lowered:
.L_overlay_start_2:
0x44: {  	(tag) =	ssettag $0x2  }
0x45: {  	s0 =	rddreg [dreg:$0x0];
	s2 =	stileid.u32  }
0x46: {  	s1 =	rddreg [dreg:$0x1];
	p0 =	sne.s32 s2, $0x0  }
0x47: {  	s3 =	rddreg [dreg:$0x2];
	[bflag:$0x3] =	sbarrier.arrive $0xFFFF;
	s2 =	simm.s32 @!p0 $0x1C01  }
0x48: {  	[timem:s3], [sflag:s2] =	dma.local @!p0 [hbm:s0], s1  }
0x49: {  	s0 =	simm.s32 @!p0 $0x1  }
0x4a: {  	_ =	swait.ge @!p0 [sflag:s0], s1  }
0x4b: {  	s1 =	ssub.s32 @!p0 $0x0, s1;
	[sflag:s0] =	ssyncset.done @!p0 $0x0  }
0x4c: {  	[sflag:s0] =	ssyncadd.s32 @!p0 s1  }
0x4d: {  	[bflag:$0x3] =	sbarrier.arrive $0xFFFF  }
0x4e: {  	_ =	shalt  }

// kernel: gather_offload_async_start.4
scs
__scs_entry_jumppad:
0x0: {  	(pc) =	sbr.rel $0x88, $3  }
0x1: {  	(tag) =	ssettag $0x0;
	lr =	simm.s32 $0x1  }
0x2: {  	[smem:$0x3F9F] =	sst lr;
	_ =	strace $0xD0000000  }
0x3: {  	_ = 	snop  }
0x4: {  	_ = 	snop  }
0x5: {  	_ = 	snop  }
0x6: {  	_ = 	snop  }
0x7: {  	_ = 	snop  }
__scs_overlays_trampoline_lowered:
0x8: {  	[smem:$0x3FAE] =	sst s0  }
0x9: {  	[smem:$0x3FAF] =	sst s1  }
0xa: {  	[smem:$0x3FB0] =	sst s2  }
0xb: {  	[smem:$0x3FB1] =	sst s3  }
0xc: {  	[smem:$0x3FB2] =	sst s4  }
0xd: {  	[smem:$0x3FB3] =	sst s5  }
0xe: {  	[smem:$0x3FB4] =	sst s6  }
0xf: {  	[smem:$0x3FB5] =	sst s7  }
0x10: {  	[smem:$0x3FB6] =	sst s8  }
0x11: {  	[smem:$0x3FB7] =	sst s9;
	s0 =	simm.s32 @!p0 $0x0  }
0x12: {  	s1 =	sld [smem:$0x3F9D];
	s0 =	simm.s32 @p0 $0x1  }
0x13: {  	[smem:$0x3FB8] =	sst s0;
	s0 =	simm.s32 @!p1 $0x0  }
0x14: {  	s2 =	sld [smem:$0x3F9C];
	s0 =	simm.s32 @p1 $0x1  }
0x15: {  	[smem:$0x3FB9] =	sst s0;
	s0 =	simm.s32 @!p2 $0x0  }
0x16: {  	s3 =	sld [smem:$0x3FDB];
	s0 =	simm.s32 @p2 $0x1  }
0x17: {  	s4 =	simm.s32 $0x1BF5;
	[smem:$0x3FBB] =	sst s0  }
0x18: {  	s0 =	sld [smem:$0x3F9E];
	_ =	swait.ge [sflag:s4], $0x0  }
0x19: {  	s7 =	sld [smem:$0x3F9F]  }
0x1a: {  	s8 =	sadd.s32 $0xFFFFE003, lr  }
0x1b: {  	s9 =	sadd.s32 $0xFFFFFEF7, lr;
	s5 =	simm.s32 $0xFFFFFFFF;
	p2 =	slt.u32 s8, $0xFFFFF086  }
0x1c: {  	p1 =	slt.u32 s9, $0xF7A;
	s5 =	simm.s32 @!p2 $0x0  }
0x1d: {  	s5 =	simm.s32 @p1 $0x1;
	p0 =	seq.s32 s7, s2  }
0x1e: {  	s7 =	smul.u32 @!p0 $0xF7A, s2;
	p2 =	seq.s32 @!p0 s5, $0x0  }
0x1f: {  	s9 =	smul.u32 $0xF7A, s1;
	s8 =	simm.s32 @!p0 $0x1BF5;
	p2 =	por !p2, p0  }
0x20: {  	[sflag:s8] =	ssyncset.s32 @!p0 $0xFFFFF086;
	s6 =	sadd.s32 @!p0 s3, s7;
	s7 =	simm.s32 @!p0 $0x108  }
0x21: {  	s3 =	sadd.s32 s3, s9;
	s6 =	sadd.s32 @!p0 $0x88, s6;
	s7 =	simm.s32 @p2 $0x1082  }
0x22: {  	[simem:s7], [sflag:s8] =	dma.local @!p0 [hbm:s6], $0xF7A  }
0x23: {  	s9 =	sor.u32 $0xD0000000, s2;
	s6 =	simm.s32 $0x108;
	_ =	swait.ge @!p0 [sflag:s8], $0x0  }
0x24: {  	s3 =	sadd.s32 $0x88, s3;
	s6 =	simm.s32 @!p1 $0x1082;
	[sflag:s4] =	ssyncset.s32 $0xFFFFF086  }
0x25: {  	[simem:s6], [sflag:s4] =	dma.local [hbm:s3], $0xF7A  }
0x26: {  	[smem:$0x3F9F] =	sst s1;
	(tag) =	ssettag s2;
	_ =	strace s9  }
0x27: {  	s1 =	sld [smem:$0x3FAF]  }
0x28: {  	s2 =	sld [smem:$0x3FB0]  }
0x29: {  	s4 =	sld [smem:$0x3FB2]  }
0x2a: {  	p0 =	seq.s32 s5, $0x0;
	s5 =	sld [smem:$0x3FB3]  }
0x2b: {  	s6 =	sld [smem:$0x3FB4]  }
0x2c: {  	s7 =	sld [smem:$0x3FB5]  }
0x2d: {  	s3 =	simm.s32 $0x108;
	s8 =	sld [smem:$0x3FB6]  }
0x2e: {  	s3 =	simm.s32 @!p0 $0x1082;
	s9 =	sld [smem:$0x3FB7]  }
0x2f: {  	lr =	sadd.s32 s0, s3;
	s0 =	sld [smem:$0x3FAE]  }
0x30: {  	s3 =	sld [smem:$0x3FB1]  }
0x31: {  	[smem:$0x3FBA] =	sst s10  }
0x32: {  	s10 =	sld [smem:$0x3FB8];
	_ =	sdelay $0x3  }
0x33: {  	p0 =	seq.s32 s10, $0x1;
	s10 =	sld [smem:$0x3FBA];
	_ =	sdelay $0x3  }
0x34: {  	[smem:$0x3FBA] =	sst s10  }
0x35: {  	s10 =	sld [smem:$0x3FB9];
	_ =	sdelay $0x3  }
0x36: {  	p1 =	seq.s32 s10, $0x1;
	s10 =	sld [smem:$0x3FBA];
	_ =	sdelay $0x3  }
0x37: {  	[smem:$0x3FBA] =	sst s10  }
0x38: {  	s10 =	sld [smem:$0x3FBB]  }
0x39: {  	_ = 	snop;
	(pc) =	sbr.ind lr, $3  }
0x3a: {  	_ = 	snop  }
0x3b: {  	_ = 	snop  }
0x3c: {  	p2 =	seq.s32 s10, $0x1;
	s10 =	sld [smem:$0x3FBA]  }
0x3d: {  	_ =	shalt  }
0x3e: {  	_ =	shalt  }
0x3f: {  	_ =	shalt  }
0x40: {  	_ =	shalt  }
0x41: {  	_ =	shalt  }
0x42: {  	_ =	shalt  }
0x43: {  	_ =	shalt  }
0x44: {  	_ =	shalt  }
0x45: {  	_ =	shalt  }
0x46: {  	_ =	shalt  }
0x47: {  	_ =	shalt  }
0x48: {  	_ =	shalt  }
0x49: {  	_ =	shalt  }
0x4a: {  	_ =	shalt  }
0x4b: {  	_ =	shalt  }
0x4c: {  	_ =	shalt  }
0x4d: {  	_ =	shalt  }
0x4e: {  	_ =	shalt  }
0x4f: {  	_ =	shalt  }
0x50: {  	_ =	shalt  }
0x51: {  	_ =	shalt  }
0x52: {  	_ =	shalt  }
0x53: {  	_ =	shalt  }
0x54: {  	_ =	shalt  }
0x55: {  	_ =	shalt  }
0x56: {  	_ =	shalt  }
0x57: {  	_ =	shalt  }
0x58: {  	_ =	shalt  }
0x59: {  	_ =	shalt  }
0x5a: {  	_ =	shalt  }
0x5b: {  	_ =	shalt  }
0x5c: {  	_ =	shalt  }
0x5d: {  	_ =	shalt  }
0x5e: {  	_ =	shalt  }
0x5f: {  	_ =	shalt  }
0x60: {  	_ =	shalt  }
0x61: {  	_ =	shalt  }
0x62: {  	_ =	shalt  }
0x63: {  	_ =	shalt  }
0x64: {  	_ =	shalt  }
0x65: {  	_ =	shalt  }
0x66: {  	_ =	shalt  }
0x67: {  	_ =	shalt  }
0x68: {  	_ =	shalt  }
0x69: {  	_ =	shalt  }
0x6a: {  	_ =	shalt  }
0x6b: {  	_ =	shalt  }
0x6c: {  	_ =	shalt  }
0x6d: {  	_ =	shalt  }
0x6e: {  	_ =	shalt  }
0x6f: {  	_ =	shalt  }
0x70: {  	_ =	shalt  }
0x71: {  	_ =	shalt  }
0x72: {  	_ =	shalt  }
0x73: {  	_ =	shalt  }
0x74: {  	_ =	shalt  }
0x75: {  	_ =	shalt  }
0x76: {  	_ =	shalt  }
0x77: {  	_ =	shalt  }
0x78: {  	_ =	shalt  }
0x79: {  	_ =	shalt  }
0x7a: {  	_ =	shalt  }
0x7b: {  	_ =	shalt  }
0x7c: {  	_ =	shalt  }
0x7d: {  	_ =	shalt  }
0x7e: {  	_ =	shalt  }
0x7f: {  	_ =	shalt  }
0x80: {  	_ =	shalt  }
0x81: {  	_ =	shalt  }
0x82: {  	_ =	shalt  }
0x83: {  	_ =	shalt  }
0x84: {  	_ =	shalt  }
0x85: {  	_ =	shalt  }
0x86: {  	_ =	shalt  }
0x87: {  	_ =	shalt  }
.Lfunc_end0:
.L_simem_size_0:
called_computation.4_lowered:
.L_overlay_start_0:
0x88: {  	s2 =	sld [smem:$0x3FD9]  }
0x89: {  	s3 =	sld [smem:$0x3FFE];
	_ =	sdelay $0x1  }
0x8a: {  	s1 =	srdreg.scid  }
0x8b: {  	s0 =	sand.u32 $0x1, s1  }
0x8c: {  	s17 =	sshll.u32 s0, $0xA;
	s2 =	sadd.s32 s3, s2  }
0x8d: {  	s2 =	sadd.s32 s2, s17  }
0x8e: {  	[smem:$0x3FC6] =	sst s2  }
0x8f: {  	_ = 	snop  }
0x90: {  	s2 =	sld [smem:$0x3FC8]  }
0x91: {  	s18 =	sld [smem:$0x3FD0];
	(tm) =	ssettm $0x1  }
0x92: {  	s4 =	sld [smem:$0x3FFB];
	_ =	sdelay $0x3  }
0x93: {  	_ =	strace s4  }
0x94: {  	s4 =	sld [smem:$0x3FFC];
	_ =	sdelay $0x3  }
0x95: {  	_ =	strace s4  }
0x96: {  	s4 =	sld [smem:$0x3FFD];
	_ =	sdelay $0x3  }
0x97: {  	_ =	strace s4  }
0x98: {  	_ =	strace $0x8FFFFFFF  }
0x99: {  	s19 =	sld [smem:$0x3FDB];
	_ =	sdelay $0x1  }
0x9a: {  	s5 =	simm.s32 $_scs_section_size  }
0x9b: {  	s6 =	simm.s32 $_size__tile_overlayer_lowered;
	s7 =	simm.s32 $_tile_overlayer_lowered  }
0x9c: {  	s22 =	simm.s32 $0x1BFF;
	s21 =	sshll.u32 s7, $0x1;
	s4 =	sadd.s32 s5, s19  }
0x9d: {  	s8 =	simm.s32 $0x0;
	s20 =	sshll.u32 s6, $0x1;
	s6 =	sadd.s32 s21, s4  }
0x9e: {  	[timem:s8], [sflag:s22] =	dma.local [hbm:s6], s20  }
0x9f: {  	_ =	swait.ge [sflag:s22], s20  }
0xa0: {  	s5 =	ssub.s32 $0x0, s20;
	[sflag:s22] =	ssyncset.done $0x0  }
0xa1: {  	[sflag:s22] =	ssyncadd.s32 s5;
	_ =	sdelay $0x1  }
0xa2: {  	s23 =	simm.s32 $0x1B8B  }
0xa3: {  	_ =	swait.ge [sflag:s23], $0x1  }
0xa4: {  	[sflag:s23] =	ssyncset.done $0x0  }
0xa5: {  	s25 =	simm.s32 $0x1B8E;
	s24 =	sld [smem:$0x3FFE];
	[sflag:s23] =	ssyncadd.s32 $0xFFFFFFFF  }
0xa6: {  	s26 =	simm.s32 $execute0_lowered;
	[smem:$0x3FD2] =	sst s25  }
0xa7: {  	s6 =	sshll.u32 s26, $0x1;
	_ =	strace $0x80000046;
	[dreg:$0x1] =	wrdreg $0xFFFFFFFF  }
0xa8: {  	s28 =	simm.s32 $_size_execute0_lowered;
	s4 =	sadd.s32 s4, s6;
	[dreg:$0x0] =	wrdreg $0x0  }
0xa9: {  	s6 =	sshll.u32 s28, $0x1;
	[dreg:$0x2] =	wrdreg s4  }
0xaa: {  	[dreg:$0x3] =	wrdreg s6  }
0xab: {  	[dreg:$0x4] =	wrdreg $0xC0  }
0xac: {  	_ =	task [dreg:s8], $0x5FFFF  }
0xad: {  	[dreg:$0x1] =	wrdreg $0xFFFFFFFF  }
0xae: {  	[dreg:$0x0] =	wrdreg $0x60  }
0xaf: {  	[dreg:$0x2] =	wrdreg s2  }
0xb0: {  	[dreg:$0x3] =	wrdreg s24  }
0xb1: {  	[dreg:$0x4] =	wrdreg s18  }
0xb2: {  	[dreg:$0x5] =	wrdreg $0x9  }
0xb3: {  	_ =	task.clear_ibuf [dreg:s8], $0x6FFFF;
	_ =	strace $0x90000046  }
0xb4: {  	s29 =	simm.s32 $0x9;
	_ =	strace $0x80000048  }
0xb5: {  	_ =	swait.ge [sflag:s29], $0x1  }
0xb6: {  	[sflag:s29] =	ssyncadd.s32 $0xFFFFFFFF  }
0xb7: {  	_ =	strace $0x90000048  }
0xb8: {  	_ =	sfence  }
0xb9: {  	s30 =	sld [smem:$0x0];
	_ =	sdelay $0x2  }
0xba: {  	s31 =	sshll.u32 s1, $0xD;
	s1 =	sshrl.u32 s1, $0x2  }
0xbb: {  	s3 =	sand.u32 $0x4000, s31;
	s1 =	sadd.s32 s1, s30  }
0xbc: {  	s0 =	sor.u32 s3, s0;
	s1 =	sshll.u32 s1, $0x11  }
0xbd: {  	s0 =	sor.u32 s1, s0  }
0xbe: {  	s0 =	sadd.s32 $0x8F2B, s0  }
0xbf: {  	[sflag:s0] =	ssyncadd.remote.s32 $0x1  }
0xc0: {  	_ =	sfence.sel $0xFFFF  }
0xc1: {  	[dreg:$0x0] =	wrdreg $0xFFFFFFFF;
	(pc) =	sbr.abs _section_cstart, $3  }
0xc2: {  	[dreg:$0x1] =	wrdreg $0xFFFFFFFF  }
0xc3: {  	_ =	task.clear_ibuf [dreg:s8], $0x2FFFF;
	_ =	strace $0x9FFFFFFF  }
0xc4: {  	(tm) =	ssettm $0x7FFFFFFF  }
0xc5: {  	_ =	shalt  }
tec
execute0_lowered:
.L_overlay_start_1:
0x0: {  	(tag) =	ssettag $0x1  }
0x1: {  	s2 =	rddreg [dreg:$0x0]  }
0x2: {  	s3 =	rddreg [dreg:$0x1]  }
0x3: {  	s4 =	rddreg [dreg:$0x2];
	s1 =	stileid.u32  }
0x4: {  	s5 =	srdreg.scid;
	s0 =	rddreg [dreg:$0x3]  }
0x5: {  	_ =	strace $0x80000047;
	s8 =	simm.s32 $0x1;
	s9 =	simm.s32 $0x1  }
0x6: {  	s10 =	simm.s32 $0x3;
	s6 =	sand.u32 $0x1, s5;
	s7 =	sshll.u32 s1, $0x1  }
0x7: {  	s13 =	simm.s32 $0x0;
	s5 =	simm.s32 $0x1;
	s6 =	sor.u32 s7, s6  }
.Ltmp0:
0x8: {  	[sflag:s5] =	ssyncpa.u1 $0x0;
	p0 =	slt.u32 s6, $0x13;
	(pc) =	sbr.rel .LBB2_1-.Ltmp0, $4  }
0x9: {  	s7 =	simm.s32 $0x2;
	s8 =	simm.s32 @!p0 $0x0;
	p0 =	sne.s32 s6, $0x12  }
0xa: {  	[sflag:s7] =	ssyncpa.u1 $0x0;
	s6 =	smul.u32 $0x190, s6;
	s9 =	simm.s32 @!p0 $0x0  }
0xb: {  	s12 =	simm.s32 $0x0;
	[sflag:s10] =	ssyncpa.u1 $0x0;
	s8 =	sadd.s32 s9, s8  }
0xc: {  	vm0 =	vmmov $0xffff;
	s10 =	simm.s32 $0x0;
	s11 =	smov.u32 s6;
	s9 =	sadd.s32 $0x1, s8  }
.LBB2_4:
0xd: {  	v2 =	vnsel vm1, $0x0, v2  }
0xe: {  	vm1 =	vgt.s32 v0, $0x0;
	v2 =	vmin.u32 v2, $0x4E1F  }
0xf: {  	v0 =	vnsel vm1, $0x0, v0  }
0x10: {  	v0 =	vmin.u32 v0, $0x4E1F  }
0x11: {  	[tilespmem:s18], [sflag:$0x1] =	stream.indirect_vreg.gather [hbm4b:s2+s10], $0x1, v1, vm0, $0x4038;
	[tilespmem:$0x640] =	vst v63  }
0x12: {  	(ifvalue) =	ssetifvalue $0x7FFFFFFF  }
0x13: {  	[tilespmem:s15], [sflag:$0x1] =	stream.indirect_vreg.gather [hbm4b:s2+s10], $0x1, v2, vm0, $0x4038;
	[tilespmem:$0x640] =	vst v63  }
0x14: {  	s29 =	sadd.s32 $0x10, s15;
	(ifvalue) =	ssetifvalue $0x7FFFFFFF  }
0x15: {  	[tilespmem:s29], [sflag:$0x1] =	stream.indirect_vreg.gather [hbm4b:s2+s10], $0x1, v0, vm0, $0x4038;
	[tilespmem:$0x640] =	vst v63  }
0x16: {  	_ =	swait.ge [sflag:s5], $0x190  }
0x17: {  	s30 =	sshrl.u32 s13, $0x3;
	[sflag:s5] =	ssyncset.done $0x0  }
0x18: {  	s31 =	sand.u32 $0x7, s13;
	s15 =	sadd.s32 s4, s30;
	[sflag:s5] =	ssyncadd.s32 $0xFFFFFE70  }
0x19: {  	[hbm4b:s15+s31] =	stream.linear.scatter [tilespmem:s14], [sflag:$0x3], $0x190, $0x38;
	[tilespmem:$0x640] =	vst v63  }
.LBB2_5:
0x1a: {  	s15 =	sadd.s32 $0x3200, s11  }
0x1b: {  	p1 =	sgt.s32 s15, $0x4E1F  }
0x1c: {  	s15 =	smov.u32 @p1 s6;
	p1 =	sne.s32 s12, s9  }
.Ltmp1:
0x1d: {  	p0 =	slt.u32 s12, $0x2;
	(pc) =	sbr.rel @!p1 .LBB2_6-.Ltmp1, $4  }
0x1e: {  	s14 =	simm.s32 @!p0 $0x3  }
0x1f: {  	_ =	swait.ge @!p0 [sflag:s14], $0x190  }
0x20: {  	s16 =	sadd.s32 $0x1, s12;
	s13 =	smov.u32 s11;
	[sflag:s14] =	ssyncset.done @!p0 $0x0  }
0x21: {  	s12 =	smov.u32 s16;
	s11 =	smov.u32 s15;
	[sflag:s14] =	ssyncadd.s32 @!p0 $0xFFFFFE70  }
.LBB2_1:
0x22: {  	p0 =	sge.u32 s12, s8  }
0x23: {  	s14 =	sxor.u32 @!p0 $0x1, s12  }
0x24: {  	s14 =	smul.u32 @!p0 $0x640, s14  }
0x25: {  	s31 =	sadd.s32 $0xFFFFFFFF, s12;
	s15 =	sshrl.u32 @!p0 s11, $0x3  }
0x26: {  	s16 =	sand.u32 @!p0 $0x7, s11;
	s15 =	sadd.s32 @!p0 s3, s15;
	s14 =	sshra.s32 @!p0 s14, $0x2  }
0x27: {  	[tilespmem:s14], [sflag:$0x2] =	stream.linear.gather @!p0 [hbm4b:s15+s16], $0x190, $0x38;
	[tilespmem:$0x640] =	vst v63  }
0x28: {  	p0 =	sge.u32 s31, s8  }
.Ltmp2:
0x29: {  	_ = 	snop;
	(pc) =	sbr.rel @p0 .LBB2_5-.Ltmp2, $1  }
0x2a: {  	_ =	sdelay $0x3  }
0x2b: {  	s14 =	sand.u32 $0x1, s12  }
0x2c: {  	_ =	swait.ge [sflag:s7], $0x190;
	p0 =	seq.s32 s14, $0x1;
	s14 =	simm.s32 $0x190  }
0x2d: {  	[sflag:s7] =	ssyncset.done $0x0;
	s14 =	simm.s32 @!p0 $0x0  }
0x2e: {  	[sflag:s7] =	ssyncadd.s32 $0xFFFFFE70;
	(ifvalue) =	ssetifvalue $0x7FFFFFFF;
	v0 =	vld.msk [tilespmem:s14+$0x0 ss:$0x1], $0xffff;
	_ =	sdelay $0x4  }
0x2f: {  	s15 =	sadd.s32 $0x10, s14;
	vm1 =	vgt.s32 v0, $0x0  }
0x30: {  	v2 =	vld.msk [tilespmem:s15+$0x0 ss:$0x1], $0xffff;
	v1 =	vnsel vm1, $0x0, v0  }
0x31: {  	v1 =	vmin.u32 v1, $0x4E1F;
	_ =	sdelay $0x2  }
0x32: {  	s17 =	simm.s32 $0x20;
	s14 =	sadd.s32 $0x320, s14;
	s16 =	sadd.s32 $0x10, s15  }
0x33: {  	s15 =	sadd.s32 $0x10, s14;
	s18 =	smov.u32 s14;
	v0 =	vld.msk [tilespmem:s16+$0x0 ss:$0x1], $0xffff;
	vm1 =	vgt.s32 v2, $0x0;
	(ifvalue) =	ssetifvalue $0x7FFFFFFF  }
.LBB2_3:
0x34: {  	[tilespmem:s18], [sflag:$0x1] =	stream.indirect_vreg.gather [hbm4b:s2+s10], $0x1, v1, vm0, $0x4038;
	[tilespmem:$0x640] =	vst v63  }
0x35: {  	s17 =	sadd.s32 $0x10, s17  }
0x36: {  	v2 =	vnsel vm1, $0x0, v2;
	p0 =	slt.u32 s17, $0x180  }
.Ltmp3:
0x37: {  	s18 =	smov.u32 s15;
	v1 =	vmin.u32 v2, $0x4E1F;
	(pc) =	sbr.rel @p0 .LBB2_3-.Ltmp3, $3  }
0x38: {  	_ =	sdelay $0x1  }
0x39: {  	s16 =	sadd.s32 $0x10, s16  }
0x3a: {  	vm1 =	vgt.s32 v0, $0x0;
	s15 =	sadd.s32 $0x10, s15;
	v2 =	vmov v0;
	(ifvalue) =	ssetifvalue $0x7FFFFFFF;
	v0 =	vld.msk [tilespmem:s16+$0x0 ss:$0x1], $0xffff  }
.Ltmp4:
0x3b: {  	_ = 	snop;
	(pc) =	sbr.rel .LBB2_4-.Ltmp4, $1  }
0x3c: {  	_ =	sdelay $0x3  }
.LBB2_6:
0x3d: {  	_ =	sfence.sel $0x180000  }
0x3e: {  	s2 =	simm.s32 $0x2;
	[bflag:$0x0] =	sbarrier.arrive $0xFFFF  }
0x3f: {  	s30 =	simm.s32 $0x3;
	[sflag:s2] =	ssyncpa.u1 $0x1  }
0x40: {  	s31 =	simm.s32 $0x1;
	[sflag:s30] =	ssyncpa.u1 $0x1  }
0x41: {  	[sflag:s31] =	ssyncpa.u1 $0x1  }
0x42: {  	p0 =	sne.s32 s1, $0x0;
	_ =	strace $0x90000047  }
0x43: {  	s0 =	sadd.s32 @!p0 $0x100000, s0;
	[bflag:$0x2] =	sbarrier.arrive $0xFFFF  }
0x44: {  	[sflag:s0] =	ssyncadd.tile.s32 @!p0 $0x1;
	_ =	shalt  }
.Lfunc_end2:
_tile_overlayer_lowered:
.L_overlay_start_2:
0x45: {  	(tag) =	ssettag $0x2  }
0x46: {  	s0 =	rddreg [dreg:$0x0];
	s2 =	stileid.u32  }
0x47: {  	s1 =	rddreg [dreg:$0x1];
	p0 =	sne.s32 s2, $0x0  }
0x48: {  	s3 =	rddreg [dreg:$0x2];
	[bflag:$0x3] =	sbarrier.arrive $0xFFFF;
	s2 =	simm.s32 @!p0 $0x1C01  }
0x49: {  	[timem:s3], [sflag:s2] =	dma.local @!p0 [hbm:s0], s1  }
0x4a: {  	s0 =	simm.s32 @!p0 $0x1  }
0x4b: {  	_ =	swait.ge @!p0 [sflag:s0], s1  }
0x4c: {  	s1 =	ssub.s32 @!p0 $0x0, s1;
	[sflag:s0] =	ssyncset.done @!p0 $0x0  }
0x4d: {  	[sflag:s0] =	ssyncadd.s32 @!p0 s1  }
0x4e: {  	[bflag:$0x3] =	sbarrier.arrive $0xFFFF  }
0x4f: {  	_ =	shalt  }

// kernel: gather_offload_async_start
scs
__scs_entry_jumppad:
0x0: {  	(pc) =	sbr.rel $0x88, $3  }
0x1: {  	(tag) =	ssettag $0x0;
	lr =	simm.s32 $0x1  }
0x2: {  	[smem:$0x3F9F] =	sst lr;
	_ =	strace $0xD0000000  }
0x3: {  	_ = 	snop  }
0x4: {  	_ = 	snop  }
0x5: {  	_ = 	snop  }
0x6: {  	_ = 	snop  }
0x7: {  	_ = 	snop  }
__scs_overlays_trampoline_lowered:
0x8: {  	[smem:$0x3FAE] =	sst s0  }
0x9: {  	[smem:$0x3FAF] =	sst s1  }
0xa: {  	[smem:$0x3FB0] =	sst s2  }
0xb: {  	[smem:$0x3FB1] =	sst s3  }
0xc: {  	[smem:$0x3FB2] =	sst s4  }
0xd: {  	[smem:$0x3FB3] =	sst s5  }
0xe: {  	[smem:$0x3FB4] =	sst s6  }
0xf: {  	[smem:$0x3FB5] =	sst s7  }
0x10: {  	[smem:$0x3FB6] =	sst s8  }
0x11: {  	[smem:$0x3FB7] =	sst s9;
	s0 =	simm.s32 @!p0 $0x0  }
0x12: {  	s1 =	sld [smem:$0x3F9D];
	s0 =	simm.s32 @p0 $0x1  }
0x13: {  	[smem:$0x3FB8] =	sst s0;
	s0 =	simm.s32 @!p1 $0x0  }
0x14: {  	s2 =	sld [smem:$0x3F9C];
	s0 =	simm.s32 @p1 $0x1  }
0x15: {  	[smem:$0x3FB9] =	sst s0;
	s0 =	simm.s32 @!p2 $0x0  }
0x16: {  	s3 =	sld [smem:$0x3FDB];
	s0 =	simm.s32 @p2 $0x1  }
0x17: {  	s4 =	simm.s32 $0x1BF5;
	[smem:$0x3FBB] =	sst s0  }
0x18: {  	s0 =	sld [smem:$0x3F9E];
	_ =	swait.ge [sflag:s4], $0x0  }
0x19: {  	s7 =	sld [smem:$0x3F9F]  }
0x1a: {  	s8 =	sadd.s32 $0xFFFFE003, lr  }
0x1b: {  	s9 =	sadd.s32 $0xFFFFFEF7, lr;
	s5 =	simm.s32 $0xFFFFFFFF;
	p2 =	slt.u32 s8, $0xFFFFF086  }
0x1c: {  	p1 =	slt.u32 s9, $0xF7A;
	s5 =	simm.s32 @!p2 $0x0  }
0x1d: {  	s5 =	simm.s32 @p1 $0x1;
	p0 =	seq.s32 s7, s2  }
0x1e: {  	s7 =	smul.u32 @!p0 $0xF7A, s2;
	p2 =	seq.s32 @!p0 s5, $0x0  }
0x1f: {  	s9 =	smul.u32 $0xF7A, s1;
	s8 =	simm.s32 @!p0 $0x1BF5;
	p2 =	por !p2, p0  }
0x20: {  	[sflag:s8] =	ssyncset.s32 @!p0 $0xFFFFF086;
	s6 =	sadd.s32 @!p0 s3, s7;
	s7 =	simm.s32 @!p0 $0x108  }
0x21: {  	s3 =	sadd.s32 s3, s9;
	s6 =	sadd.s32 @!p0 $0x88, s6;
	s7 =	simm.s32 @p2 $0x1082  }
0x22: {  	[simem:s7], [sflag:s8] =	dma.local @!p0 [hbm:s6], $0xF7A  }
0x23: {  	s9 =	sor.u32 $0xD0000000, s2;
	s6 =	simm.s32 $0x108;
	_ =	swait.ge @!p0 [sflag:s8], $0x0  }
0x24: {  	s3 =	sadd.s32 $0x88, s3;
	s6 =	simm.s32 @!p1 $0x1082;
	[sflag:s4] =	ssyncset.s32 $0xFFFFF086  }
0x25: {  	[simem:s6], [sflag:s4] =	dma.local [hbm:s3], $0xF7A  }
0x26: {  	[smem:$0x3F9F] =	sst s1;
	(tag) =	ssettag s2;
	_ =	strace s9  }
0x27: {  	s1 =	sld [smem:$0x3FAF]  }
0x28: {  	s2 =	sld [smem:$0x3FB0]  }
0x29: {  	s4 =	sld [smem:$0x3FB2]  }
0x2a: {  	p0 =	seq.s32 s5, $0x0;
	s5 =	sld [smem:$0x3FB3]  }
0x2b: {  	s6 =	sld [smem:$0x3FB4]  }
0x2c: {  	s7 =	sld [smem:$0x3FB5]  }
0x2d: {  	s3 =	simm.s32 $0x108;
	s8 =	sld [smem:$0x3FB6]  }
0x2e: {  	s3 =	simm.s32 @!p0 $0x1082;
	s9 =	sld [smem:$0x3FB7]  }
0x2f: {  	lr =	sadd.s32 s0, s3;
	s0 =	sld [smem:$0x3FAE]  }
0x30: {  	s3 =	sld [smem:$0x3FB1]  }
0x31: {  	[smem:$0x3FBA] =	sst s10  }
0x32: {  	s10 =	sld [smem:$0x3FB8];
	_ =	sdelay $0x3  }
0x33: {  	p0 =	seq.s32 s10, $0x1;
	s10 =	sld [smem:$0x3FBA];
	_ =	sdelay $0x3  }
0x34: {  	[smem:$0x3FBA] =	sst s10  }
0x35: {  	s10 =	sld [smem:$0x3FB9];
	_ =	sdelay $0x3  }
0x36: {  	p1 =	seq.s32 s10, $0x1;
	s10 =	sld [smem:$0x3FBA];
	_ =	sdelay $0x3  }
0x37: {  	[smem:$0x3FBA] =	sst s10  }
0x38: {  	s10 =	sld [smem:$0x3FBB]  }
0x39: {  	_ = 	snop;
	(pc) =	sbr.ind lr, $3  }
0x3a: {  	_ = 	snop  }
0x3b: {  	_ = 	snop  }
0x3c: {  	p2 =	seq.s32 s10, $0x1;
	s10 =	sld [smem:$0x3FBA]  }
0x3d: {  	_ =	shalt  }
0x3e: {  	_ =	shalt  }
0x3f: {  	_ =	shalt  }
0x40: {  	_ =	shalt  }
0x41: {  	_ =	shalt  }
0x42: {  	_ =	shalt  }
0x43: {  	_ =	shalt  }
0x44: {  	_ =	shalt  }
0x45: {  	_ =	shalt  }
0x46: {  	_ =	shalt  }
0x47: {  	_ =	shalt  }
0x48: {  	_ =	shalt  }
0x49: {  	_ =	shalt  }
0x4a: {  	_ =	shalt  }
0x4b: {  	_ =	shalt  }
0x4c: {  	_ =	shalt  }
0x4d: {  	_ =	shalt  }
0x4e: {  	_ =	shalt  }
0x4f: {  	_ =	shalt  }
0x50: {  	_ =	shalt  }
0x51: {  	_ =	shalt  }
0x52: {  	_ =	shalt  }
0x53: {  	_ =	shalt  }
0x54: {  	_ =	shalt  }
0x55: {  	_ =	shalt  }
0x56: {  	_ =	shalt  }
0x57: {  	_ =	shalt  }
0x58: {  	_ =	shalt  }
0x59: {  	_ =	shalt  }
0x5a: {  	_ =	shalt  }
0x5b: {  	_ =	shalt  }
0x5c: {  	_ =	shalt  }
0x5d: {  	_ =	shalt  }
0x5e: {  	_ =	shalt  }
0x5f: {  	_ =	shalt  }
0x60: {  	_ =	shalt  }
0x61: {  	_ =	shalt  }
0x62: {  	_ =	shalt  }
0x63: {  	_ =	shalt  }
0x64: {  	_ =	shalt  }
0x65: {  	_ =	shalt  }
0x66: {  	_ =	shalt  }
0x67: {  	_ =	shalt  }
0x68: {  	_ =	shalt  }
0x69: {  	_ =	shalt  }
0x6a: {  	_ =	shalt  }
0x6b: {  	_ =	shalt  }
0x6c: {  	_ =	shalt  }
0x6d: {  	_ =	shalt  }
0x6e: {  	_ =	shalt  }
0x6f: {  	_ =	shalt  }
0x70: {  	_ =	shalt  }
0x71: {  	_ =	shalt  }
0x72: {  	_ =	shalt  }
0x73: {  	_ =	shalt  }
0x74: {  	_ =	shalt  }
0x75: {  	_ =	shalt  }
0x76: {  	_ =	shalt  }
0x77: {  	_ =	shalt  }
0x78: {  	_ =	shalt  }
0x79: {  	_ =	shalt  }
0x7a: {  	_ =	shalt  }
0x7b: {  	_ =	shalt  }
0x7c: {  	_ =	shalt  }
0x7d: {  	_ =	shalt  }
0x7e: {  	_ =	shalt  }
0x7f: {  	_ =	shalt  }
0x80: {  	_ =	shalt  }
0x81: {  	_ =	shalt  }
0x82: {  	_ =	shalt  }
0x83: {  	_ =	shalt  }
0x84: {  	_ =	shalt  }
0x85: {  	_ =	shalt  }
0x86: {  	_ =	shalt  }
0x87: {  	_ =	shalt  }
.Lfunc_end0:
.L_simem_size_0:
called_computation_lowered:
.L_overlay_start_0:
0x88: {  	s2 =	sld [smem:$0x3FD9]  }
0x89: {  	s3 =	sld [smem:$0x3FFE];
	_ =	sdelay $0x1  }
0x8a: {  	s1 =	srdreg.scid  }
0x8b: {  	s0 =	sand.u32 $0x1, s1  }
0x8c: {  	s16 =	sshll.u32 s0, $0xA;
	s2 =	sadd.s32 s3, s2  }
0x8d: {  	s2 =	sadd.s32 s2, s16  }
0x8e: {  	[smem:$0x3FC6] =	sst s2  }
0x8f: {  	_ = 	snop  }
0x90: {  	(tm) =	ssettm $0x1  }
0x91: {  	s17 =	sld [smem:$0x3FFB];
	_ =	sdelay $0x3  }
0x92: {  	_ =	strace s17  }
0x93: {  	s2 =	sld [smem:$0x3FFC];
	_ =	sdelay $0x3  }
0x94: {  	_ =	strace s2  }
0x95: {  	s2 =	sld [smem:$0x3FFD];
	_ =	sdelay $0x3  }
0x96: {  	_ =	strace s2  }
0x97: {  	_ =	strace $0x8FFFFFFF  }
0x98: {  	s18 =	sld [smem:$0x3FDB];
	_ =	sdelay $0x1  }
0x99: {  	s19 =	simm.s32 $_scs_section_size  }
0x9a: {  	s4 =	simm.s32 $_size__tile_overlayer_lowered;
	s5 =	simm.s32 $_tile_overlayer_lowered  }
0x9b: {  	s22 =	simm.s32 $0x1BFF;
	s21 =	sshll.u32 s5, $0x1;
	s2 =	sadd.s32 s19, s18  }
0x9c: {  	s6 =	simm.s32 $0x0;
	s20 =	sshll.u32 s4, $0x1;
	s4 =	sadd.s32 s21, s2  }
0x9d: {  	[timem:s6], [sflag:s22] =	dma.local [hbm:s4], s20  }
0x9e: {  	_ =	swait.ge [sflag:s22], s20  }
0x9f: {  	s3 =	ssub.s32 $0x0, s20;
	[sflag:s22] =	ssyncset.done $0x0  }
0xa0: {  	[sflag:s22] =	ssyncadd.s32 s3;
	_ =	sdelay $0x1  }
0xa1: {  	s23 =	simm.s32 $0x1B8B  }
0xa2: {  	_ =	swait.ge [sflag:s23], $0x1  }
0xa3: {  	[sflag:s23] =	ssyncset.done $0x0  }
0xa4: {  	s25 =	simm.s32 $0x1B8E;
	s24 =	sld [smem:$0x3FFE];
	[sflag:s23] =	ssyncadd.s32 $0xFFFFFFFF  }
0xa5: {  	s26 =	simm.s32 $execute0_lowered;
	[smem:$0x3FD2] =	sst s25  }
0xa6: {  	s4 =	sshll.u32 s26, $0x1;
	_ =	strace $0x8000004C;
	[dreg:$0x1] =	wrdreg $0xFFFFFFFF  }
0xa7: {  	s28 =	simm.s32 $_size_execute0_lowered;
	s2 =	sadd.s32 s2, s4;
	[dreg:$0x0] =	wrdreg $0x0  }
0xa8: {  	s4 =	sshll.u32 s28, $0x1;
	[dreg:$0x2] =	wrdreg s2  }
0xa9: {  	[dreg:$0x3] =	wrdreg s4  }
0xaa: {  	[dreg:$0x4] =	wrdreg $0xC0  }
0xab: {  	_ =	task [dreg:s6], $0x5FFFF  }
0xac: {  	[dreg:$0x1] =	wrdreg $0xFFFFFFFF  }
0xad: {  	[dreg:$0x0] =	wrdreg $0x60  }
0xae: {  	[dreg:$0x2] =	wrdreg s24  }
0xaf: {  	[dreg:$0x3] =	wrdreg $0x9  }
0xb0: {  	_ =	task.clear_ibuf [dreg:s6], $0x4FFFF;
	_ =	strace $0x9000004C  }
0xb1: {  	s29 =	simm.s32 $0x9;
	_ =	strace $0x8000004E  }
0xb2: {  	_ =	swait.ge [sflag:s29], $0x1  }
0xb3: {  	[sflag:s29] =	ssyncadd.s32 $0xFFFFFFFF  }
0xb4: {  	_ =	strace $0x9000004E  }
0xb5: {  	_ =	sfence  }
0xb6: {  	s30 =	sld [smem:$0x0];
	_ =	sdelay $0x2  }
0xb7: {  	s31 =	sshll.u32 s1, $0xD;
	s1 =	sshrl.u32 s1, $0x2  }
0xb8: {  	s3 =	sand.u32 $0x4000, s31;
	s1 =	sadd.s32 s1, s30  }
0xb9: {  	s0 =	sor.u32 s3, s0;
	s1 =	sshll.u32 s1, $0x11  }
0xba: {  	s0 =	sor.u32 s1, s0  }
0xbb: {  	s0 =	sadd.s32 $0x8F2B, s0  }
0xbc: {  	[sflag:s0] =	ssyncadd.remote.s32 $0x1  }
0xbd: {  	_ =	sfence.sel $0xFFFF  }
0xbe: {  	[dreg:$0x0] =	wrdreg $0xFFFFFFFF;
	(pc) =	sbr.abs _section_cstart, $3  }
0xbf: {  	[dreg:$0x1] =	wrdreg $0xFFFFFFFF  }
0xc0: {  	_ =	task.clear_ibuf [dreg:s6], $0x2FFFF;
	_ =	strace $0x9FFFFFFF  }
0xc1: {  	(tm) =	ssettm $0x7FFFFFFF  }
tec
execute0_lowered:
.L_overlay_start_1:
0x0: {  	(tag) =	ssettag $0x1  }
0x1: {  	s2 =	rddreg [dreg:$0x0]  }
0x2: {  	s0 =	rddreg [dreg:$0x1];
	s1 =	stileid.u32  }
0x3: {  	s3 =	srdreg.scid;
	_ =	strace $0x8000004D;
	s4 =	simm.s32 $0x1  }
0x4: {  	s7 =	simm.s32 $0x1;
	s8 =	simm.s32 $0x1;
	s9 =	simm.s32 $0x3  }
0x5: {  	s10 =	simm.s32 $0x0;
	s5 =	sand.u32 $0x1, s3;
	s6 =	sshll.u32 s1, $0x1  }
0x6: {  	s13 =	simm.s32 $0x0;
	s12 =	simm.s32 $0x0;
	s5 =	sor.u32 s6, s5  }
.Ltmp0:
0x7: {  	[sflag:s4] =	ssyncpa.u1 $0x0;
	p0 =	slt.u32 s5, $0x13;
	(pc) =	sbr.rel .LBB2_1-.Ltmp0, $4  }
0x8: {  	s6 =	simm.s32 $0x2;
	s7 =	simm.s32 @!p0 $0x0;
	p0 =	sne.s32 s5, $0x12  }
0x9: {  	[sflag:s6] =	ssyncpa.u1 $0x0;
	s5 =	smul.u32 $0x190, s5;
	s8 =	simm.s32 @!p0 $0x0  }
0xa: {  	s3 =	sadd.s32 $0x1400, s2;
	[sflag:s9] =	ssyncpa.u1 $0x0;
	s7 =	sadd.s32 s8, s7  }
0xb: {  	vm0 =	vmmov $0xffff;
	s8 =	sadd.s32 $0xA00, s2;
	s11 =	smov.u32 s5;
	s9 =	sadd.s32 $0x1, s7  }
.LBB2_4:
0xc: {  	v2 =	vnsel vm1, $0x0, v2  }
0xd: {  	vm1 =	vgt.s32 v0, $0x0;
	v2 =	vmin.u32 v2, $0x4E1F  }
0xe: {  	v0 =	vnsel vm1, $0x0, v0  }
0xf: {  	v0 =	vmin.u32 v0, $0x4E1F  }
0x10: {  	[tilespmem:s18], [sflag:$0x1] =	stream.indirect_vreg.gather [hbm4b:s3+s10], $0x1, v1, vm0, $0x4038;
	[tilespmem:$0x640] =	vst v63  }
0x11: {  	(ifvalue) =	ssetifvalue $0x7FFFFFFF  }
0x12: {  	[tilespmem:s15], [sflag:$0x1] =	stream.indirect_vreg.gather [hbm4b:s3+s10], $0x1, v2, vm0, $0x4038;
	[tilespmem:$0x640] =	vst v63  }
0x13: {  	s29 =	sadd.s32 $0x10, s15;
	(ifvalue) =	ssetifvalue $0x7FFFFFFF  }
0x14: {  	[tilespmem:s29], [sflag:$0x1] =	stream.indirect_vreg.gather [hbm4b:s3+s10], $0x1, v0, vm0, $0x4038;
	[tilespmem:$0x640] =	vst v63  }
0x15: {  	_ =	swait.ge [sflag:s4], $0x190  }
0x16: {  	s30 =	sshrl.u32 s13, $0x3;
	[sflag:s4] =	ssyncset.done $0x0  }
0x17: {  	s31 =	sand.u32 $0x7, s13;
	s15 =	sadd.s32 s8, s30;
	[sflag:s4] =	ssyncadd.s32 $0xFFFFFE70  }
0x18: {  	[hbm4b:s15+s31] =	stream.linear.scatter [tilespmem:s14], [sflag:$0x3], $0x190, $0x38;
	[tilespmem:$0x640] =	vst v63  }
.LBB2_5:
0x19: {  	s15 =	sadd.s32 $0x3200, s11  }
0x1a: {  	p1 =	sgt.s32 s15, $0x4E1F  }
0x1b: {  	s15 =	smov.u32 @p1 s5;
	p1 =	sne.s32 s12, s9  }
.Ltmp1:
0x1c: {  	p0 =	slt.u32 s12, $0x2;
	(pc) =	sbr.rel @!p1 .LBB2_6-.Ltmp1, $4  }
0x1d: {  	s14 =	simm.s32 @!p0 $0x3  }
0x1e: {  	_ =	swait.ge @!p0 [sflag:s14], $0x190  }
0x1f: {  	s16 =	sadd.s32 $0x1, s12;
	s13 =	smov.u32 s11;
	[sflag:s14] =	ssyncset.done @!p0 $0x0  }
0x20: {  	s12 =	smov.u32 s16;
	s11 =	smov.u32 s15;
	[sflag:s14] =	ssyncadd.s32 @!p0 $0xFFFFFE70  }
.LBB2_1:
0x21: {  	p0 =	sge.u32 s12, s7  }
0x22: {  	s14 =	sxor.u32 @!p0 $0x1, s12  }
0x23: {  	s14 =	smul.u32 @!p0 $0x640, s14  }
0x24: {  	s31 =	sadd.s32 $0xFFFFFFFF, s12;
	s15 =	sshrl.u32 @!p0 s11, $0x3  }
0x25: {  	s16 =	sand.u32 @!p0 $0x7, s11;
	s15 =	sadd.s32 @!p0 s2, s15;
	s14 =	sshra.s32 @!p0 s14, $0x2  }
0x26: {  	[tilespmem:s14], [sflag:$0x2] =	stream.linear.gather @!p0 [hbm4b:s15+s16], $0x190, $0x38;
	[tilespmem:$0x640] =	vst v63  }
0x27: {  	p0 =	sge.u32 s31, s7  }
.Ltmp2:
0x28: {  	_ = 	snop;
	(pc) =	sbr.rel @p0 .LBB2_5-.Ltmp2, $1  }
0x29: {  	_ =	sdelay $0x3  }
0x2a: {  	s14 =	sand.u32 $0x1, s12  }
0x2b: {  	_ =	swait.ge [sflag:s6], $0x190;
	p0 =	seq.s32 s14, $0x1;
	s14 =	simm.s32 $0x190  }
0x2c: {  	[sflag:s6] =	ssyncset.done $0x0;
	s14 =	simm.s32 @!p0 $0x0  }
0x2d: {  	[sflag:s6] =	ssyncadd.s32 $0xFFFFFE70;
	(ifvalue) =	ssetifvalue $0x7FFFFFFF;
	v0 =	vld.msk [tilespmem:s14+$0x0 ss:$0x1], $0xffff;
	_ =	sdelay $0x4  }
0x2e: {  	s15 =	sadd.s32 $0x10, s14;
	vm1 =	vgt.s32 v0, $0x0  }
0x2f: {  	v2 =	vld.msk [tilespmem:s15+$0x0 ss:$0x1], $0xffff;
	v1 =	vnsel vm1, $0x0, v0  }
0x30: {  	v1 =	vmin.u32 v1, $0x4E1F;
	_ =	sdelay $0x2  }
0x31: {  	s17 =	simm.s32 $0x20;
	s14 =	sadd.s32 $0x320, s14;
	s16 =	sadd.s32 $0x10, s15  }
0x32: {  	s15 =	sadd.s32 $0x10, s14;
	s18 =	smov.u32 s14;
	v0 =	vld.msk [tilespmem:s16+$0x0 ss:$0x1], $0xffff;
	vm1 =	vgt.s32 v2, $0x0;
	(ifvalue) =	ssetifvalue $0x7FFFFFFF  }
.LBB2_3:
0x33: {  	[tilespmem:s18], [sflag:$0x1] =	stream.indirect_vreg.gather [hbm4b:s3+s10], $0x1, v1, vm0, $0x4038;
	[tilespmem:$0x640] =	vst v63  }
0x34: {  	s17 =	sadd.s32 $0x10, s17  }
0x35: {  	v2 =	vnsel vm1, $0x0, v2;
	p0 =	slt.u32 s17, $0x180  }
.Ltmp3:
0x36: {  	s18 =	smov.u32 s15;
	v1 =	vmin.u32 v2, $0x4E1F;
	(pc) =	sbr.rel @p0 .LBB2_3-.Ltmp3, $3  }
0x37: {  	_ =	sdelay $0x1  }
0x38: {  	s16 =	sadd.s32 $0x10, s16  }
0x39: {  	vm1 =	vgt.s32 v0, $0x0;
	s15 =	sadd.s32 $0x10, s15;
	v2 =	vmov v0;
	(ifvalue) =	ssetifvalue $0x7FFFFFFF;
	v0 =	vld.msk [tilespmem:s16+$0x0 ss:$0x1], $0xffff  }
.Ltmp4:
0x3a: {  	_ = 	snop;
	(pc) =	sbr.rel .LBB2_4-.Ltmp4, $1  }
0x3b: {  	_ =	sdelay $0x3  }
.LBB2_6:
0x3c: {  	_ =	sfence.sel $0x180000  }
0x3d: {  	s2 =	simm.s32 $0x2;
	[bflag:$0x0] =	sbarrier.arrive $0xFFFF  }
0x3e: {  	s30 =	simm.s32 $0x3;
	[sflag:s2] =	ssyncpa.u1 $0x1  }
0x3f: {  	s31 =	simm.s32 $0x1;
	[sflag:s30] =	ssyncpa.u1 $0x1  }
0x40: {  	[sflag:s31] =	ssyncpa.u1 $0x1  }
0x41: {  	p0 =	sne.s32 s1, $0x0;
	_ =	strace $0x9000004D  }
0x42: {  	s0 =	sadd.s32 @!p0 $0x100000, s0;
	[bflag:$0x2] =	sbarrier.arrive $0xFFFF  }
0x43: {  	[sflag:s0] =	ssyncadd.tile.s32 @!p0 $0x1;
	_ =	shalt  }
.Lfunc_end2:
_tile_overlayer_lowered:
.L_overlay_start_2:
0x44: {  	(tag) =	ssettag $0x2  }
0x45: {  	s0 =	rddreg [dreg:$0x0];
	s2 =	stileid.u32  }
0x46: {  	s1 =	rddreg [dreg:$0x1];
	p0 =	sne.s32 s2, $0x0  }
0x47: {  	s3 =	rddreg [dreg:$0x2];
	[bflag:$0x3] =	sbarrier.arrive $0xFFFF;
	s2 =	simm.s32 @!p0 $0x1C01  }
0x48: {  	[timem:s3], [sflag:s2] =	dma.local @!p0 [hbm:s0], s1  }
0x49: {  	s0 =	simm.s32 @!p0 $0x1  }
0x4a: {  	_ =	swait.ge @!p0 [sflag:s0], s1  }
0x4b: {  	s1 =	ssub.s32 @!p0 $0x0, s1;
	[sflag:s0] =	ssyncset.done @!p0 $0x0  }
0x4c: {  	[sflag:s0] =	ssyncadd.s32 @!p0 s1  }
0x4d: {  	[bflag:$0x3] =	sbarrier.arrive $0xFFFF  }
0x4e: {  	_ =	shalt  }

</sc_bundles>
